<compile_context>
chip_gen: v7x
topology: tpu7x:2x2x1
jax: 0.10.2.dev20260603
libtpu: 0.0.44.dev20260713+nightly
codegen_flags: <defaults>
</compile_context>

<pallas_src>
import jax
import jax.numpy as jnp
import numpy as np
from jax import lax
from jax.experimental import pallas as pl
from jax.experimental.pallas import tpu as pltpu
from jax.experimental.pallas import tpu_sc as plsc

B = 1
NQ = 2500
NQP = 2560
ED = 256
NH = 8
NL = 4
NP = 4
NC = 6
HD = ED // NH
SS = np.array([[64, 112], [32, 56], [16, 28], [8, 14]], dtype=np.int64)
LSTART = np.array([0, 7168, 8960, 9408], dtype=np.int64)
NV = 9520
NVP = 9600
NK = NL * NP * 4

ITEMS = NC * NH * NQP
NSUB = 32
IT_PER = ITEMS // NSUB
IB = 16
NBLK = IT_PER // IB

QB1 = 256
QB2 = 256
NVB = 640
QBD = 256

_f32 = jnp.float32
_i32 = jnp.int32


def _a1_body(qr, pr, wxr, bxr, wyr, byr, war, bar, oxr, oyr, oar):
    q = qr[...] + pr[...]
    dn = (((1,), (1,)), ((), ()))
    offx = lax.dot_general(q, wxr[0], dn, preferred_element_type=_f32) + bxr[0]
    offy = lax.dot_general(q, wyr[0], dn, preferred_element_type=_f32) + byr[0]
    a = lax.dot_general(q, war[0], dn, preferred_element_type=_f32) + bar[0]
    m = jnp.max(a, axis=1, keepdims=True)
    e = jnp.exp(a - m)
    s = jnp.sum(e, axis=1, keepdims=True)
    oxr[0] = offx
    oyr[0] = offy
    oar[0] = e * (4.0 / s)


def _run_a1(qpad, ppad, sowx, sobx, sowy, soby, aww, awb):
    grid = (NH, NQP // QB1)
    return pl.pallas_call(
        _a1_body,
        grid=grid,
        in_specs=[
            pl.BlockSpec((QB1, ED), lambda h, qi: (qi, 0)),
            pl.BlockSpec((QB1, ED), lambda h, qi: (qi, 0)),
            pl.BlockSpec((1, NK, ED), lambda h, qi: (h, 0, 0)),
            pl.BlockSpec((1, 1, NK), lambda h, qi: (h, 0, 0)),
            pl.BlockSpec((1, NK, ED), lambda h, qi: (h, 0, 0)),
            pl.BlockSpec((1, 1, NK), lambda h, qi: (h, 0, 0)),
            pl.BlockSpec((1, NK, ED), lambda h, qi: (h, 0, 0)),
            pl.BlockSpec((1, 1, NK), lambda h, qi: (h, 0, 0)),
        ],
        out_specs=[
            pl.BlockSpec((1, QB1, NK), lambda h, qi: (h, qi, 0)),
            pl.BlockSpec((1, QB1, NK), lambda h, qi: (h, qi, 0)),
            pl.BlockSpec((1, QB1, NK), lambda h, qi: (h, qi, 0)),
        ],
        out_shape=[jax.ShapeDtypeStruct((NH, NQP, NK), _f32)] * 3,
    )(qpad, ppad, sowx, sobx, sowy, soby, aww, awb)


def _a2_body(oxr, oyr, awr, rpr, l2ir, imgr, wlr, hlr, dxr, dyr, str_,
             idxr, wr, mr):
    c = pl.program_id(0)
    h = pl.program_id(2)
    rp = rpr[...]
    cam = []
    for i in range(3):
        acc = rp[:, 0:1] * l2ir[c, i, 0]
        for j in range(1, 4):
            acc = acc + rp[:, j:j + 1] * l2ir[c, i, j]
        cam.append(acc)
    depth = cam[2]
    denom = depth + 1e-5
    img_h = imgr[0].astype(_f32)
    img_w = imgr[1].astype(_f32)
    un = cam[0] / denom / img_w
    vn = cam[1] / denom / img_h
    maskf = ((depth > 1e-5) & (un > 0.0) & (un < 1.0)
             & (vn > 0.0) & (vn < 1.0)).astype(_f32)

    wl = wlr[...]
    hl = hlr[...]
    dxl = dxr[...]
    dyl = dyr[...]
    stl = str_[...]

    x = un * wl + oxr[0] - 0.5
    y = vn * hl + oyr[0] - 0.5
    x0 = jnp.floor(x)
    y0 = jnp.floor(y)
    fx = x - x0
    fy = y - y0
    xc = x0 + dxl
    yc = y0 + dyl
    wx = jnp.where(dxl > 0.5, fx, 1.0 - fx)
    wy = jnp.where(dyl > 0.5, fy, 1.0 - fy)
    inb = ((xc >= 0.0) & (xc <= wl - 1.0)
           & (yc >= 0.0) & (yc <= hl - 1.0)).astype(_f32)
    wtot = awr[0] * wx * wy * inb * maskf
    xci = jnp.clip(xc, 0.0, wl - 1.0)
    yci = jnp.clip(yc, 0.0, hl - 1.0)
    row_l = stl + yci * wl + xci
    gidx = row_l.astype(_i32) * NH + (c * NVP * NH + h)
    idxr[0, 0] = gidx
    wr[0, 0] = wtot
    mr[0] = maskf


def _run_a2(offx, offy, aw, rp_pad, l2i, img, lane_consts):
    wl, hl, dxl, dyl, stl = lane_consts
    grid = (NC, NQP // QB2, NH)
    lane_spec = pl.BlockSpec((1, NK), lambda c, qi, h: (0, 0))
    return pl.pallas_call(
        _a2_body,
        grid=grid,
        in_specs=[
            pl.BlockSpec((1, QB2, NK), lambda c, qi, h: (h, qi, 0)),
            pl.BlockSpec((1, QB2, NK), lambda c, qi, h: (h, qi, 0)),
            pl.BlockSpec((1, QB2, NK), lambda c, qi, h: (h, qi, 0)),
            pl.BlockSpec((QB2, 4), lambda c, qi, h: (qi, 0)),
            pl.BlockSpec(memory_space=pltpu.SMEM),
            pl.BlockSpec(memory_space=pltpu.SMEM),
            lane_spec, lane_spec, lane_spec, lane_spec, lane_spec,
        ],
        out_specs=[
            pl.BlockSpec((1, 1, QB2, NK), lambda c, qi, h: (c, h, qi, 0)),
            pl.BlockSpec((1, 1, QB2, NK), lambda c, qi, h: (c, h, qi, 0)),
            pl.BlockSpec((1, QB2, 1), lambda c, qi, h: (c, qi, 0)),
        ],
        out_shape=[
            jax.ShapeDtypeStruct((NC, NH, NQP, NK), _i32),
            jax.ShapeDtypeStruct((NC, NH, NQP, NK), _f32),
            jax.ShapeDtypeStruct((NC, NQP, 1), _f32),
        ],
    )(offx, offy, aw, rp_pad, l2i, img, wl, hl, dxl, dyl, stl)


def _b_body(fr, vwr, vbr, outr):
    dn = (((0,), (1,)), ((), ()))
    outr[0] = lax.dot_general(fr[0], vwr[...], dn,
                              preferred_element_type=_f32) + vbr[...]


def _run_b(ftpad, vp_w, vp_b2):
    grid = (NC, NVP // NVB)
    return pl.pallas_call(
        _b_body,
        grid=grid,
        in_specs=[
            pl.BlockSpec((1, ED, NVB), lambda c, vi: (c, 0, vi)),
            pl.BlockSpec((ED, ED), lambda c, vi: (0, 0)),
            pl.BlockSpec((1, ED), lambda c, vi: (0, 0)),
        ],
        out_specs=pl.BlockSpec((1, NVB, ED), lambda c, vi: (c, vi, 0)),
        out_shape=jax.ShapeDtypeStruct((NC, NVP, ED), _f32),
    )(ftpad, vp_w, vp_b2)


def _sc_body(idx_hbm, w_hbm, table_hbm, out_hbm,
             idxv0, wv0, rowsv0, idxv1, wv1, rowsv1, outv, sem0, sem1):
    cid = lax.axis_index("c")
    sid = lax.axis_index("s")
    wid = sid * 2 + cid
    base = wid * IT_PER
    bufs = ((idxv0, wv0, rowsv0, sem0), (idxv1, wv1, rowsv1, sem1))

    def fire(b, s):
        idxv, wv, rowsv, sem = bufs[s]
        ib = base + b * IB
        pltpu.sync_copy(idx_hbm.at[pl.ds(ib * NK, IB * NK)], idxv)
        pltpu.sync_copy(w_hbm.at[pl.ds(ib * NK, IB * NK)], wv)
        for g in range(IB * NK // 128):
            pltpu.async_copy(
                table_hbm.at[idxv.at[pl.ds(g * 128, 128)]],
                rowsv.at[pl.ds(g * 128, 128)], sem)

    def consume(b, s):
        idxv, wv, rowsv, sem = bufs[s]
        pltpu.make_async_copy(
            table_hbm.at[pl.ds(0, IB * NK)], rowsv, sem).wait()

        @pl.loop(0, IB)
        def _item(i):
            def kstep(k4, acc):
                a0, a1 = acc
                for j in range(4):
                    flat = i * NK + k4 * 4 + j
                    wk = plsc.load_gather(wv, [jnp.full((16,), flat, _i32)])
                    r0 = rowsv[flat, pl.ds(0, 16)]
                    r1 = rowsv[flat, pl.ds(16, 16)]
                    a0 = a0 + wk * r0
                    a1 = a1 + wk * r1
                return (a0, a1)

            a0, a1 = lax.fori_loop(
                0, NK // 4, kstep,
                (jnp.zeros((16,), _f32), jnp.zeros((16,), _f32)))
            outv[i, pl.ds(0, 16)] = a0
            outv[i, pl.ds(16, 16)] = a1

        pltpu.sync_copy(outv, out_hbm.at[pl.ds(base + b * IB, IB)])

    fire(0, 0)
    fire(1, 1)

    @pl.loop(0, NBLK // 2)
    def _pair(bb):
        for s in range(2):
            b = bb * 2 + s
            consume(b, s)

            @pl.when(b + 2 < NBLK)
            def _():
                fire(b + 2, s)


def _run_sc(idx_flat, w_flat, table):
    mesh = plsc.VectorSubcoreMesh(core_axis_name="c", subcore_axis_name="s")
    f = pl.kernel(
        _sc_body,
        out_type=jax.ShapeDtypeStruct((ITEMS, HD), _f32),
        mesh=mesh,
        scratch_types=[
            pltpu.VMEM((IB * NK,), _i32),
            pltpu.VMEM((IB * NK,), _f32),
            pltpu.VMEM((IB * NK, HD), _f32),
            pltpu.VMEM((IB * NK,), _i32),
            pltpu.VMEM((IB * NK,), _f32),
            pltpu.VMEM((IB * NK, HD), _f32),
            pltpu.VMEM((IB, HD), _f32),
            pltpu.SemaphoreType.DMA,
            pltpu.SemaphoreType.DMA,
        ],
        compiler_params=pltpu.CompilerParams(
            needs_layout_passes=False, use_tc_tiling_on_sc=False),
    )
    return f(idx_flat, w_flat, table)


def _d_body(prer, mr, owr, obr, outr):
    h = pl.program_id(1)
    fused = jnp.sum(prer[...], axis=0)[0]
    m = mr[...]
    valid = jnp.sum(m, axis=0)
    scale = 1.0 / jnp.maximum(valid, 1.0)
    ind = (valid > 0.0).astype(_f32)
    part = jnp.dot(fused * scale, owr[...], preferred_element_type=_f32)

    @pl.when(h == 0)
    def _():
        outr[...] = part + ind * obr[...]

    @pl.when(h != 0)
    def _():
        outr[...] = outr[...] + part


def _run_d(pre, maskq, out_w_t, out_b2):
    grid = (NQP // QBD, NH)
    return pl.pallas_call(
        _d_body,
        grid=grid,
        in_specs=[
            pl.BlockSpec((NC, 1, QBD, HD), lambda qi, h: (0, h, qi, 0)),
            pl.BlockSpec((NC, QBD, 1), lambda qi, h: (0, qi, 0)),
            pl.BlockSpec((HD, ED), lambda qi, h: (h, 0)),
            pl.BlockSpec((1, ED), lambda qi, h: (0, 0)),
        ],
        out_specs=pl.BlockSpec((QBD, ED), lambda qi, h: (qi, 0)),
        out_shape=jax.ShapeDtypeStruct((NQP, ED), _f32),
    )(pre, maskq, out_w_t, out_b2)


def kernel(query, query_pos, feat0, feat1, feat2, feat3, lidar2img,
           reference_points, img_size, so_w, so_b, aw_w, aw_b, vp_w, vp_b,
           out_w, out_b):
    f32 = _f32
    qpad = jnp.concatenate(
        [query[0], jnp.zeros((NQP - NQ, ED), f32)], axis=0)
    ppad = jnp.concatenate(
        [query_pos[0], jnp.zeros((NQP - NQ, ED), f32)], axis=0)
    def _round_bf16(x):
        u = jax.lax.bitcast_convert_type(x, jnp.uint32)
        u = (u + jnp.uint32(0x7FFF) + ((u >> 16) & jnp.uint32(1)))
        u = u & jnp.uint32(0xFFFF0000)
        return jax.lax.bitcast_convert_type(u, f32)

    rp1 = jnp.concatenate(
        [reference_points, jnp.ones((NQ, 1), f32)], axis=1)
    rp1 = _round_bf16(rp1)
    rp_pad = jnp.concatenate([rp1, jnp.zeros((NQP - NQ, 4), f32)], axis=0)

    kk = np.arange(NK)
    ll = kk // 16
    pp = (kk // 4) % 4
    cc = kk % 4
    dx = (cc % 2).astype(np.float32)
    dy = (cc // 2).astype(np.float32)
    hh = np.arange(NH)[:, None]
    rx = (((hh * NL + ll[None]) * NP + pp[None]) * 2 + 0).astype(np.int32)
    ra = ((hh * NL + ll[None]) * NP + pp[None]).astype(np.int32)
    sowx = so_w[rx]
    sowy = so_w[rx + 1]
    sobx = so_b[rx][:, None, :]
    soby = so_b[rx + 1][:, None, :]
    aww = aw_w[ra]
    awb = aw_b[ra][:, None, :]

    wl = jnp.asarray(SS[ll, 1], f32)[None, :]
    hl = jnp.asarray(SS[ll, 0], f32)[None, :]
    dxl = jnp.asarray(dx)[None, :]
    dyl = jnp.asarray(dy)[None, :]
    stl = jnp.asarray(LSTART[ll], f32)[None, :]

    feats = [feat0, feat1, feat2, feat3]
    ft = jnp.concatenate(
        [feats[l][0].reshape(NC, ED, -1) for l in range(NL)], axis=2)
    ftpad = jnp.concatenate(
        [ft, jnp.zeros((NC, ED, NVP - NV), f32)], axis=2)

    l2i = _round_bf16(lidar2img[0])
    vp_b2 = vp_b[None, :]
    out_b2 = out_b[None, :]
    out_w_t = out_w.T

    offx, offy, aw = _run_a1(qpad, ppad, sowx, sobx, sowy, soby, aww, awb)
    idx, w, maskq = _run_a2(offx, offy, aw, rp_pad, l2i, img_size,
                            (wl, hl, dxl, dyl, stl))
    table = _run_b(ftpad, vp_w, vp_b2)
    table2 = table.reshape(NC * NVP * NH, HD)
    pre = _run_sc(idx.reshape(-1), w.reshape(-1), table2)
    pre4 = pre.reshape(NC, NH, NQP, HD)
    res = _run_d(pre4, maskq, out_w_t, out_b2)
    return res[:NQ][None]

# --- scband reference (transcript-rebuilt; emitter-appended) ---
"""Pipeline reference for scband-spatial-cross-attention-17265768530479 (READ-ONLY COPY).

The authoritative reference and input builder live on the scoring server;
editing this copy changes nothing except your own understanding.
"""

import jax, jax.numpy as jnp
import numpy as np

B = 1
NQ = 2500
ED = 256
NH = 8
NL = 4
NP = 4
NC = 6
HD = ED // NH
SS = np.array([[64, 112], [32, 56], [16, 28], [8, 14]], dtype=np.int64)


def setup_inputs(seed: int = 0):
    key = jax.random.key(seed)
    ks = [jax.random.fold_in(key, i) for i in range(16)]
    s = 0.02
    inp = {}
    inp['query'] = jax.random.normal(ks[0], (B, NQ, ED), jnp.float32)
    inp['query_pos'] = jax.random.normal(ks[1], (B, NQ, ED), jnp.float32)
    for l in range(NL):
        H, W = int(SS[l, 0]), int(SS[l, 1])
        inp['feat%d' % l] = jax.random.normal(ks[2 + l], (B, NC, ED, H, W), jnp.float32)
    inp['lidar2img'] = jax.random.normal(ks[6], (B, NC, 4, 4), jnp.float32)
    inp['reference_points'] = jax.random.uniform(ks[7], (NQ, 3), jnp.float32)
    inp['img_size'] = jnp.array([512, 896], dtype=jnp.int32)
    inp['so_w'] = jax.random.normal(ks[8], (NH * NL * NP * 2, ED), jnp.float32) * s
    inp['so_b'] = jax.random.normal(ks[9], (NH * NL * NP * 2,), jnp.float32) * s
    inp['aw_w'] = jax.random.normal(ks[10], (NH * NL * NP, ED), jnp.float32) * s
    inp['aw_b'] = jnp.zeros((NH * NL * NP,), jnp.float32)
    inp['vp_w'] = jax.random.normal(ks[11], (ED, ED), jnp.float32) * s
    inp['vp_b'] = jnp.zeros((ED,), jnp.float32)
    inp['out_w'] = jax.random.normal(ks[12], (ED, ED), jnp.float32) * s
    inp['out_b'] = jnp.zeros((ED,), jnp.float32)
    return inp


def _bilinear(value_l, locs, H, W):
    # value_l: [BH, H*W, d]; locs: [BH, P, 2] normalized to [0,1]; mimics
    # F.grid_sample(mode='bilinear', padding_mode='zeros', align_corners=False)
    x = locs[..., 0] * W - 0.5
    y = locs[..., 1] * H - 0.5
    x0 = jnp.floor(x)
    y0 = jnp.floor(y)
    x1 = x0 + 1.0
    y1 = y0 + 1.0
    wx1 = x - x0
    wx0 = 1.0 - wx1
    wy1 = y - y0
    wy0 = 1.0 - wy1

    def gather(xi, yi):
        valid = (xi >= 0) & (xi <= W - 1) & (yi >= 0) & (yi <= H - 1)
        xc = jnp.clip(xi, 0, W - 1).astype(jnp.int32)
        yc = jnp.clip(yi, 0, H - 1).astype(jnp.int32)
        idx = yc * W + xc
        v = jnp.take_along_axis(value_l, idx[..., None], axis=1)
        return v * valid[..., None].astype(value_l.dtype)

    out = (gather(x0, y0) * (wx0 * wy0)[..., None]
           + gather(x1, y0) * (wx1 * wy0)[..., None]
           + gather(x0, y1) * (wx0 * wy1)[..., None]
           + gather(x1, y1) * (wx1 * wy1)[..., None])
    return out


def _msda(query, value, query_pos, ref, so_w, so_b, aw_w, aw_b, vp_w, vp_b, out_w, out_b):
    # MultiScaleDeformableAttention (mmcv semantics, batch_first=True, identity=0)
    nq = query.shape[1]
    nv = value.shape[1]
    q = query + query_pos
    v = value @ vp_w.T + vp_b
    v = v.reshape(B, nv, NH, HD)
    offs = (q @ so_w.T + so_b).reshape(B, nq, NH, NL, NP, 2)
    aw = (q @ aw_w.T + aw_b).reshape(B, nq, NH, NL * NP)
    aw = jax.nn.softmax(aw, axis=-1).reshape(B, nq, NH, NL, NP)
    norm = jnp.stack([jnp.asarray(SS[:, 1], jnp.float32), jnp.asarray(SS[:, 0], jnp.float32)], axis=-1)
    loc = ref[:, :, None, :, None, :] + offs / norm[None, None, None, :, None, :]
    v_ = v.transpose(0, 2, 1, 3).reshape(B * NH, nv, HD)
    loc_ = loc.transpose(0, 2, 1, 3, 4, 5).reshape(B * NH, nq, NL, NP, 2)
    sampled = []
    start = 0
    for l in range(NL):
        H, W = int(SS[l, 0]), int(SS[l, 1])
        v_l = v_[:, start:start + H * W]
        locs_l = loc_[:, :, l].reshape(B * NH, nq * NP, 2)
        s = _bilinear(v_l, locs_l, H, W).reshape(B * NH, nq, NP, HD)
        sampled.append(s)
        start += H * W
    samp = jnp.stack(sampled, axis=2)
    aw_ = aw.transpose(0, 2, 1, 3, 4).reshape(B * NH, nq, NL, NP)
    out = (samp * aw_[..., None]).sum(axis=(2, 3))
    out = out.reshape(B, NH, nq, HD).transpose(0, 2, 1, 3).reshape(B, nq, ED)
    return out @ out_w.T + out_b


def _point_sampling(reference_points, lidar2img, img_h, img_w):
    nq = reference_points.shape[0]
    rp = jnp.concatenate([reference_points, jnp.ones((nq, 1), reference_points.dtype)], axis=-1)
    cam = jnp.einsum('bnij,qj->bnqi', lidar2img, rp)
    eps = 1e-05
    depth = cam[..., 2]
    u = cam[..., 0] / (depth + eps)
    v = cam[..., 1] / (depth + eps)
    un = u / img_w
    vn = v / img_h
    ref2d = jnp.stack([un, vn], axis=-1)
    mask = (depth > eps) & (un > 0.0) & (un < 1.0) & (vn > 0.0) & (vn < 1.0)
    return ref2d, mask


def reference(query, query_pos, feat0, feat1, feat2, feat3, lidar2img, reference_points, img_size, so_w, so_b, aw_w, aw_b, vp_w, vp_b, out_w, out_b):
    feats = [feat0, feat1, feat2, feat3]
    img_h = img_size[0].astype(jnp.float32)
    img_w = img_size[1].astype(jnp.float32)
    ref2d, bev_mask = _point_sampling(reference_points, lidar2img, img_h, img_w)
    output = jnp.zeros_like(query)
    valid = jnp.zeros((B, NQ), query.dtype)
    for c in range(NC):
        mask_c = bev_mask[:, c]
        ref_c = jnp.repeat(ref2d[:, c][:, :, None, :], NL, axis=2)
        value = jnp.concatenate([f[:, c].reshape(B, ED, -1).transpose(0, 2, 1) for f in feats], axis=1)
        attn = _msda(query, value, query_pos, ref_c, so_w, so_b, aw_w, aw_b, vp_w, vp_b, out_w, out_b)
        output = output + attn * mask_c[..., None].astype(query.dtype)
        valid = valid + mask_c.astype(query.dtype)
    valid = jnp.clip(valid, 1.0, None)
    return output / valid[..., None]

if __name__ == "__main__":
    import jax
    _d = setup_inputs()
    print(jax.jit(kernel)(*tuple(_d.values())))

</pallas_src>

<mosaic_0001>
#map = affine_map<(d0, d1) -> (0)>
#map1 = affine_map<(d0, d1) -> (0, 0)>
module attributes {stable_mosaic.version = 14 : i64} {
  func.func @_sc_body(%arg0: i32, %arg1: i32, %arg2: memref<7864320xi32, #tpu.memory_space<hbm>>, %arg3: memref<7864320xf32, #tpu.memory_space<hbm>>, %arg4: memref<460800x32xf32, #tpu.memory_space<hbm>>, %arg5: memref<122880x32xf32, #tpu.memory_space<hbm>>, %arg6: memref<1024xi32, #tpu.memory_space<vmem>>, %arg7: memref<1024xf32, #tpu.memory_space<vmem>>, %arg8: memref<1024x32xf32, #tpu.memory_space<vmem>>, %arg9: memref<1024xi32, #tpu.memory_space<vmem>>, %arg10: memref<1024xf32, #tpu.memory_space<vmem>>, %arg11: memref<1024x32xf32, #tpu.memory_space<vmem>>, %arg12: memref<16x32xf32, #tpu.memory_space<vmem>>, %arg13: memref<!tpu.dma_semaphore, #tpu.memory_space<semaphore_mem>>, %arg14: memref<!tpu.dma_semaphore, #tpu.memory_space<semaphore_mem>>) attributes {dimension_semantics = [#tpu.dimension_semantics<core_parallel>, #tpu.dimension_semantics<subcore_parallel>], iteration_bounds = array<i64: 2, 16>, scalar_prefetch = 0 : i64, scratch_operands = 9 : i64, tpu.core_type = #tpu.core_type<sc_vector_subcore>, window_params = [{transform_indices = #map}, {transform_indices = #map}, {transform_indices = #map1}, {transform_indices = #map1}]} {
    %mul3A = arith.constant 2 : i32
    %mul3A_0 = arith.muli %arg1, %mul3A : i32
    %add3A = arith.addi %mul3A_0, %arg0 : i32
    %mul3A_1 = arith.constant 3840 : i32
    %mul3A_2 = arith.muli %add3A, %mul3A_1 : i32
    %add3A_3 = arith.constant 0 : i32
    %add3A_4 = arith.addi %mul3A_2, %add3A_3 : i32
    %mul3A_5 = arith.constant 64 : i32
    %mul3A_6 = arith.muli %add3A_4, %mul3A_5 : i32
    "tpu.region"() ({
      %run_scoped3A = tpu.sem_alloc : memref<!tpu.dma_semaphore, #tpu.memory_space<semaphore_mem>>
      %dma_start3A_146 = tpu.memref_slice %arg2[%mul3A_6] : memref<7864320xi32, #tpu.memory_space<hbm>> -> memref<1024xi32, #tpu.memory_space<hbm>>
      %dma_start3A_147 = tpu.memref_slice %arg2[%mul3A_6] : memref<7864320xi32, #tpu.memory_space<hbm>> -> memref<1024xi32, #tpu.memory_space<hbm>>
      tpu.enqueue_dma source(%dma_start3A_147 : memref<1024xi32, #tpu.memory_space<hbm>>) target(%arg6 : memref<1024xi32, #tpu.memory_space<vmem>>) target_semaphore(%run_scoped3A : memref<!tpu.dma_semaphore, #tpu.memory_space<semaphore_mem>>)
      %dma_wait3A = tpu.memref_slice %arg2[%mul3A_6] : memref<7864320xi32, #tpu.memory_space<hbm>> -> memref<1024xi32, #tpu.memory_space<hbm>>
      %dma_wait3A_148 = tpu.memref_slice %arg2[%mul3A_6] : memref<7864320xi32, #tpu.memory_space<hbm>> -> memref<1024xi32, #tpu.memory_space<hbm>>
      tpu.wait_dma2 semaphore(%run_scoped3A : memref<!tpu.dma_semaphore, #tpu.memory_space<semaphore_mem>>) src(%dma_wait3A_148 : memref<1024xi32, #tpu.memory_space<hbm>>) dst(%arg6 : memref<1024xi32, #tpu.memory_space<vmem>>)
      tpu.yield
    }) : () -> ()
    %mul3A_7 = arith.constant 64 : i32
    %mul3A_8 = arith.muli %add3A_4, %mul3A_7 : i32
    "tpu.region"() ({
      %run_scoped3A = tpu.sem_alloc : memref<!tpu.dma_semaphore, #tpu.memory_space<semaphore_mem>>
      %dma_start3A_146 = tpu.memref_slice %arg3[%mul3A_8] : memref<7864320xf32, #tpu.memory_space<hbm>> -> memref<1024xf32, #tpu.memory_space<hbm>>
      %dma_start3A_147 = tpu.memref_slice %arg3[%mul3A_8] : memref<7864320xf32, #tpu.memory_space<hbm>> -> memref<1024xf32, #tpu.memory_space<hbm>>
      tpu.enqueue_dma source(%dma_start3A_147 : memref<1024xf32, #tpu.memory_space<hbm>>) target(%arg7 : memref<1024xf32, #tpu.memory_space<vmem>>) target_semaphore(%run_scoped3A : memref<!tpu.dma_semaphore, #tpu.memory_space<semaphore_mem>>)
      %dma_wait3A = tpu.memref_slice %arg3[%mul3A_8] : memref<7864320xf32, #tpu.memory_space<hbm>> -> memref<1024xf32, #tpu.memory_space<hbm>>
      %dma_wait3A_148 = tpu.memref_slice %arg3[%mul3A_8] : memref<7864320xf32, #tpu.memory_space<hbm>> -> memref<1024xf32, #tpu.memory_space<hbm>>
      tpu.wait_dma2 semaphore(%run_scoped3A : memref<!tpu.dma_semaphore, #tpu.memory_space<semaphore_mem>>) src(%dma_wait3A_148 : memref<1024xf32, #tpu.memory_space<hbm>>) dst(%arg7 : memref<1024xf32, #tpu.memory_space<vmem>>)
      tpu.yield
    }) : () -> ()
    %dma_start3A = arith.constant 0 : i32
    %dma_start3A_9 = arith.constant 0 : i32
    %dma_start3A_10 = tpu.memref_slice %arg8[%dma_start3A, %dma_start3A_9] : memref<1024x32xf32, #tpu.memory_space<vmem>> -> memref<128x32xf32, #tpu.memory_space<vmem>>
    %dma_start3A_11 = arith.constant 0 : i32
    %dma_start3A_12 = tpu.memref_slice %arg6[%dma_start3A_11] : memref<1024xi32, #tpu.memory_space<vmem>> -> memref<128xi32, #tpu.memory_space<vmem>>
    %dma_start3A_13 = arith.constant 0 : i32
    %dma_start3A_14 = arith.constant 0 : i32
    %dma_start3A_15 = tpu.memref_slice %arg4[%dma_start3A_13, %dma_start3A_14] : memref<460800x32xf32, #tpu.memory_space<hbm>> -> memref<460800x32xf32, #tpu.memory_space<hbm>>
    tpu.enqueue_indirect_dma source(%dma_start3A_15 : memref<460800x32xf32, #tpu.memory_space<hbm>>) target(%dma_start3A_10 : memref<128x32xf32, #tpu.memory_space<vmem>>) offsets(%dma_start3A_12 : memref<128xi32, #tpu.memory_space<vmem>>) semaphore(%arg13 : memref<!tpu.dma_semaphore, #tpu.memory_space<semaphore_mem>>)
    %dma_start3A_16 = arith.constant 128 : i32
    %dma_start3A_17 = arith.constant 0 : i32
    %dma_start3A_18 = tpu.memref_slice %arg8[%dma_start3A_16, %dma_start3A_17] : memref<1024x32xf32, #tpu.memory_space<vmem>> -> memref<128x32xf32, #tpu.memory_space<vmem>>
    %dma_start3A_19 = arith.constant 128 : i32
    %dma_start3A_20 = tpu.memref_slice %arg6[%dma_start3A_19] : memref<1024xi32, #tpu.memory_space<vmem>> -> memref<128xi32, #tpu.memory_space<vmem>>
    %dma_start3A_21 = arith.constant 0 : i32
    %dma_start3A_22 = arith.constant 0 : i32
    %dma_start3A_23 = tpu.memref_slice %arg4[%dma_start3A_21, %dma_start3A_22] : memref<460800x32xf32, #tpu.memory_space<hbm>> -> memref<460800x32xf32, #tpu.memory_space<hbm>>
    tpu.enqueue_indirect_dma source(%dma_start3A_23 : memref<460800x32xf32, #tpu.memory_space<hbm>>) target(%dma_start3A_18 : memref<128x32xf32, #tpu.memory_space<vmem>>) offsets(%dma_start3A_20 : memref<128xi32, #tpu.memory_space<vmem>>) semaphore(%arg13 : memref<!tpu.dma_semaphore, #tpu.memory_space<semaphore_mem>>)
    %dma_start3A_24 = arith.constant 256 : i32
    %dma_start3A_25 = arith.constant 0 : i32
    %dma_start3A_26 = tpu.memref_slice %arg8[%dma_start3A_24, %dma_start3A_25] : memref<1024x32xf32, #tpu.memory_space<vmem>> -> memref<128x32xf32, #tpu.memory_space<vmem>>
    %dma_start3A_27 = arith.constant 256 : i32
    %dma_start3A_28 = tpu.memref_slice %arg6[%dma_start3A_27] : memref<1024xi32, #tpu.memory_space<vmem>> -> memref<128xi32, #tpu.memory_space<vmem>>
    %dma_start3A_29 = arith.constant 0 : i32
    %dma_start3A_30 = arith.constant 0 : i32
    %dma_start3A_31 = tpu.memref_slice %arg4[%dma_start3A_29, %dma_start3A_30] : memref<460800x32xf32, #tpu.memory_space<hbm>> -> memref<460800x32xf32, #tpu.memory_space<hbm>>
    tpu.enqueue_indirect_dma source(%dma_start3A_31 : memref<460800x32xf32, #tpu.memory_space<hbm>>) target(%dma_start3A_26 : memref<128x32xf32, #tpu.memory_space<vmem>>) offsets(%dma_start3A_28 : memref<128xi32, #tpu.memory_space<vmem>>) semaphore(%arg13 : memref<!tpu.dma_semaphore, #tpu.memory_space<semaphore_mem>>)
    %dma_start3A_32 = arith.constant 384 : i32
    %dma_start3A_33 = arith.constant 0 : i32
    %dma_start3A_34 = tpu.memref_slice %arg8[%dma_start3A_32, %dma_start3A_33] : memref<1024x32xf32, #tpu.memory_space<vmem>> -> memref<128x32xf32, #tpu.memory_space<vmem>>
    %dma_start3A_35 = arith.constant 384 : i32
    %dma_start3A_36 = tpu.memref_slice %arg6[%dma_start3A_35] : memref<1024xi32, #tpu.memory_space<vmem>> -> memref<128xi32, #tpu.memory_space<vmem>>
    %dma_start3A_37 = arith.constant 0 : i32
    %dma_start3A_38 = arith.constant 0 : i32
    %dma_start3A_39 = tpu.memref_slice %arg4[%dma_start3A_37, %dma_start3A_38] : memref<460800x32xf32, #tpu.memory_space<hbm>> -> memref<460800x32xf32, #tpu.memory_space<hbm>>
    tpu.enqueue_indirect_dma source(%dma_start3A_39 : memref<460800x32xf32, #tpu.memory_space<hbm>>) target(%dma_start3A_34 : memref<128x32xf32, #tpu.memory_space<vmem>>) offsets(%dma_start3A_36 : memref<128xi32, #tpu.memory_space<vmem>>) semaphore(%arg13 : memref<!tpu.dma_semaphore, #tpu.memory_space<semaphore_mem>>)
    %dma_start3A_40 = arith.constant 512 : i32
    %dma_start3A_41 = arith.constant 0 : i32
    %dma_start3A_42 = tpu.memref_slice %arg8[%dma_start3A_40, %dma_start3A_41] : memref<1024x32xf32, #tpu.memory_space<vmem>> -> memref<128x32xf32, #tpu.memory_space<vmem>>
    %dma_start3A_43 = arith.constant 512 : i32
    %dma_start3A_44 = tpu.memref_slice %arg6[%dma_start3A_43] : memref<1024xi32, #tpu.memory_space<vmem>> -> memref<128xi32, #tpu.memory_space<vmem>>
    %dma_start3A_45 = arith.constant 0 : i32
    %dma_start3A_46 = arith.constant 0 : i32
    %dma_start3A_47 = tpu.memref_slice %arg4[%dma_start3A_45, %dma_start3A_46] : memref<460800x32xf32, #tpu.memory_space<hbm>> -> memref<460800x32xf32, #tpu.memory_space<hbm>>
    tpu.enqueue_indirect_dma source(%dma_start3A_47 : memref<460800x32xf32, #tpu.memory_space<hbm>>) target(%dma_start3A_42 : memref<128x32xf32, #tpu.memory_space<vmem>>) offsets(%dma_start3A_44 : memref<128xi32, #tpu.memory_space<vmem>>) semaphore(%arg13 : memref<!tpu.dma_semaphore, #tpu.memory_space<semaphore_mem>>)
    %dma_start3A_48 = arith.constant 640 : i32
    %dma_start3A_49 = arith.constant 0 : i32
    %dma_start3A_50 = tpu.memref_slice %arg8[%dma_start3A_48, %dma_start3A_49] : memref<1024x32xf32, #tpu.memory_space<vmem>> -> memref<128x32xf32, #tpu.memory_space<vmem>>
    %dma_start3A_51 = arith.constant 640 : i32
    %dma_start3A_52 = tpu.memref_slice %arg6[%dma_start3A_51] : memref<1024xi32, #tpu.memory_space<vmem>> -> memref<128xi32, #tpu.memory_space<vmem>>
    %dma_start3A_53 = arith.constant 0 : i32
    %dma_start3A_54 = arith.constant 0 : i32
    %dma_start3A_55 = tpu.memref_slice %arg4[%dma_start3A_53, %dma_start3A_54] : memref<460800x32xf32, #tpu.memory_space<hbm>> -> memref<460800x32xf32, #tpu.memory_space<hbm>>
    tpu.enqueue_indirect_dma source(%dma_start3A_55 : memref<460800x32xf32, #tpu.memory_space<hbm>>) target(%dma_start3A_50 : memref<128x32xf32, #tpu.memory_space<vmem>>) offsets(%dma_start3A_52 : memref<128xi32, #tpu.memory_space<vmem>>) semaphore(%arg13 : memref<!tpu.dma_semaphore, #tpu.memory_space<semaphore_mem>>)
    %dma_start3A_56 = arith.constant 768 : i32
    %dma_start3A_57 = arith.constant 0 : i32
    %dma_start3A_58 = tpu.memref_slice %arg8[%dma_start3A_56, %dma_start3A_57] : memref<1024x32xf32, #tpu.memory_space<vmem>> -> memref<128x32xf32, #tpu.memory_space<vmem>>
    %dma_start3A_59 = arith.constant 768 : i32
    %dma_start3A_60 = tpu.memref_slice %arg6[%dma_start3A_59] : memref<1024xi32, #tpu.memory_space<vmem>> -> memref<128xi32, #tpu.memory_space<vmem>>
    %dma_start3A_61 = arith.constant 0 : i32
    %dma_start3A_62 = arith.constant 0 : i32
    %dma_start3A_63 = tpu.memref_slice %arg4[%dma_start3A_61, %dma_start3A_62] : memref<460800x32xf32, #tpu.memory_space<hbm>> -> memref<460800x32xf32, #tpu.memory_space<hbm>>
    tpu.enqueue_indirect_dma source(%dma_start3A_63 : memref<460800x32xf32, #tpu.memory_space<hbm>>) target(%dma_start3A_58 : memref<128x32xf32, #tpu.memory_space<vmem>>) offsets(%dma_start3A_60 : memref<128xi32, #tpu.memory_space<vmem>>) semaphore(%arg13 : memref<!tpu.dma_semaphore, #tpu.memory_space<semaphore_mem>>)
    %dma_start3A_64 = arith.constant 896 : i32
    %dma_start3A_65 = arith.constant 0 : i32
    %dma_start3A_66 = tpu.memref_slice %arg8[%dma_start3A_64, %dma_start3A_65] : memref<1024x32xf32, #tpu.memory_space<vmem>> -> memref<128x32xf32, #tpu.memory_space<vmem>>
    %dma_start3A_67 = arith.constant 896 : i32
    %dma_start3A_68 = tpu.memref_slice %arg6[%dma_start3A_67] : memref<1024xi32, #tpu.memory_space<vmem>> -> memref<128xi32, #tpu.memory_space<vmem>>
    %dma_start3A_69 = arith.constant 0 : i32
    %dma_start3A_70 = arith.constant 0 : i32
    %dma_start3A_71 = tpu.memref_slice %arg4[%dma_start3A_69, %dma_start3A_70] : memref<460800x32xf32, #tpu.memory_space<hbm>> -> memref<460800x32xf32, #tpu.memory_space<hbm>>
    tpu.enqueue_indirect_dma source(%dma_start3A_71 : memref<460800x32xf32, #tpu.memory_space<hbm>>) target(%dma_start3A_66 : memref<128x32xf32, #tpu.memory_space<vmem>>) offsets(%dma_start3A_68 : memref<128xi32, #tpu.memory_space<vmem>>) semaphore(%arg13 : memref<!tpu.dma_semaphore, #tpu.memory_space<semaphore_mem>>)
    %add3A_72 = arith.constant 16 : i32
    %add3A_73 = arith.addi %mul3A_2, %add3A_72 : i32
    %mul3A_74 = arith.constant 64 : i32
    %mul3A_75 = arith.muli %add3A_73, %mul3A_74 : i32
    "tpu.region"() ({
      %run_scoped3A = tpu.sem_alloc : memref<!tpu.dma_semaphore, #tpu.memory_space<semaphore_mem>>
      %dma_start3A_146 = tpu.memref_slice %arg2[%mul3A_75] : memref<7864320xi32, #tpu.memory_space<hbm>> -> memref<1024xi32, #tpu.memory_space<hbm>>
      %dma_start3A_147 = tpu.memref_slice %arg2[%mul3A_75] : memref<7864320xi32, #tpu.memory_space<hbm>> -> memref<1024xi32, #tpu.memory_space<hbm>>
      tpu.enqueue_dma source(%dma_start3A_147 : memref<1024xi32, #tpu.memory_space<hbm>>) target(%arg9 : memref<1024xi32, #tpu.memory_space<vmem>>) target_semaphore(%run_scoped3A : memref<!tpu.dma_semaphore, #tpu.memory_space<semaphore_mem>>)
      %dma_wait3A = tpu.memref_slice %arg2[%mul3A_75] : memref<7864320xi32, #tpu.memory_space<hbm>> -> memref<1024xi32, #tpu.memory_space<hbm>>
      %dma_wait3A_148 = tpu.memref_slice %arg2[%mul3A_75] : memref<7864320xi32, #tpu.memory_space<hbm>> -> memref<1024xi32, #tpu.memory_space<hbm>>
      tpu.wait_dma2 semaphore(%run_scoped3A : memref<!tpu.dma_semaphore, #tpu.memory_space<semaphore_mem>>) src(%dma_wait3A_148 : memref<1024xi32, #tpu.memory_space<hbm>>) dst(%arg9 : memref<1024xi32, #tpu.memory_space<vmem>>)
      tpu.yield
    }) : () -> ()
    %mul3A_76 = arith.constant 64 : i32
    %mul3A_77 = arith.muli %add3A_73, %mul3A_76 : i32
    "tpu.region"() ({
      %run_scoped3A = tpu.sem_alloc : memref<!tpu.dma_semaphore, #tpu.memory_space<semaphore_mem>>
      %dma_start3A_146 = tpu.memref_slice %arg3[%mul3A_77] : memref<7864320xf32, #tpu.memory_space<hbm>> -> memref<1024xf32, #tpu.memory_space<hbm>>
      %dma_start3A_147 = tpu.memref_slice %arg3[%mul3A_77] : memref<7864320xf32, #tpu.memory_space<hbm>> -> memref<1024xf32, #tpu.memory_space<hbm>>
      tpu.enqueue_dma source(%dma_start3A_147 : memref<1024xf32, #tpu.memory_space<hbm>>) target(%arg10 : memref<1024xf32, #tpu.memory_space<vmem>>) target_semaphore(%run_scoped3A : memref<!tpu.dma_semaphore, #tpu.memory_space<semaphore_mem>>)
      %dma_wait3A = tpu.memref_slice %arg3[%mul3A_77] : memref<7864320xf32, #tpu.memory_space<hbm>> -> memref<1024xf32, #tpu.memory_space<hbm>>
      %dma_wait3A_148 = tpu.memref_slice %arg3[%mul3A_77] : memref<7864320xf32, #tpu.memory_space<hbm>> -> memref<1024xf32, #tpu.memory_space<hbm>>
      tpu.wait_dma2 semaphore(%run_scoped3A : memref<!tpu.dma_semaphore, #tpu.memory_space<semaphore_mem>>) src(%dma_wait3A_148 : memref<1024xf32, #tpu.memory_space<hbm>>) dst(%arg10 : memref<1024xf32, #tpu.memory_space<vmem>>)
      tpu.yield
    }) : () -> ()
    %dma_start3A_78 = arith.constant 0 : i32
    %dma_start3A_79 = arith.constant 0 : i32
    %dma_start3A_80 = tpu.memref_slice %arg11[%dma_start3A_78, %dma_start3A_79] : memref<1024x32xf32, #tpu.memory_space<vmem>> -> memref<128x32xf32, #tpu.memory_space<vmem>>
    %dma_start3A_81 = arith.constant 0 : i32
    %dma_start3A_82 = tpu.memref_slice %arg9[%dma_start3A_81] : memref<1024xi32, #tpu.memory_space<vmem>> -> memref<128xi32, #tpu.memory_space<vmem>>
    %dma_start3A_83 = arith.constant 0 : i32
    %dma_start3A_84 = arith.constant 0 : i32
    %dma_start3A_85 = tpu.memref_slice %arg4[%dma_start3A_83, %dma_start3A_84] : memref<460800x32xf32, #tpu.memory_space<hbm>> -> memref<460800x32xf32, #tpu.memory_space<hbm>>
    tpu.enqueue_indirect_dma source(%dma_start3A_85 : memref<460800x32xf32, #tpu.memory_space<hbm>>) target(%dma_start3A_80 : memref<128x32xf32, #tpu.memory_space<vmem>>) offsets(%dma_start3A_82 : memref<128xi32, #tpu.memory_space<vmem>>) semaphore(%arg14 : memref<!tpu.dma_semaphore, #tpu.memory_space<semaphore_mem>>)
    %dma_start3A_86 = arith.constant 128 : i32
    %dma_start3A_87 = arith.constant 0 : i32
    %dma_start3A_88 = tpu.memref_slice %arg11[%dma_start3A_86, %dma_start3A_87] : memref<1024x32xf32, #tpu.memory_space<vmem>> -> memref<128x32xf32, #tpu.memory_space<vmem>>
    %dma_start3A_89 = arith.constant 128 : i32
    %dma_start3A_90 = tpu.memref_slice %arg9[%dma_start3A_89] : memref<1024xi32, #tpu.memory_space<vmem>> -> memref<128xi32, #tpu.memory_space<vmem>>
    %dma_start3A_91 = arith.constant 0 : i32
    %dma_start3A_92 = arith.constant 0 : i32
    %dma_start3A_93 = tpu.memref_slice %arg4[%dma_start3A_91, %dma_start3A_92] : memref<460800x32xf32, #tpu.memory_space<hbm>> -> memref<460800x32xf32, #tpu.memory_space<hbm>>
    tpu.enqueue_indirect_dma source(%dma_start3A_93 : memref<460800x32xf32, #tpu.memory_space<hbm>>) target(%dma_start3A_88 : memref<128x32xf32, #tpu.memory_space<vmem>>) offsets(%dma_start3A_90 : memref<128xi32, #tpu.memory_space<vmem>>) semaphore(%arg14 : memref<!tpu.dma_semaphore, #tpu.memory_space<semaphore_mem>>)
    %dma_start3A_94 = arith.constant 256 : i32
    %dma_start3A_95 = arith.constant 0 : i32
    %dma_start3A_96 = tpu.memref_slice %arg11[%dma_start3A_94, %dma_start3A_95] : memref<1024x32xf32, #tpu.memory_space<vmem>> -> memref<128x32xf32, #tpu.memory_space<vmem>>
    %dma_start3A_97 = arith.constant 256 : i32
    %dma_start3A_98 = tpu.memref_slice %arg9[%dma_start3A_97] : memref<1024xi32, #tpu.memory_space<vmem>> -> memref<128xi32, #tpu.memory_space<vmem>>
    %dma_start3A_99 = arith.constant 0 : i32
    %dma_start3A_100 = arith.constant 0 : i32
    %dma_start3A_101 = tpu.memref_slice %arg4[%dma_start3A_99, %dma_start3A_100] : memref<460800x32xf32, #tpu.memory_space<hbm>> -> memref<460800x32xf32, #tpu.memory_space<hbm>>
    tpu.enqueue_indirect_dma source(%dma_start3A_101 : memref<460800x32xf32, #tpu.memory_space<hbm>>) target(%dma_start3A_96 : memref<128x32xf32, #tpu.memory_space<vmem>>) offsets(%dma_start3A_98 : memref<128xi32, #tpu.memory_space<vmem>>) semaphore(%arg14 : memref<!tpu.dma_semaphore, #tpu.memory_space<semaphore_mem>>)
    %dma_start3A_102 = arith.constant 384 : i32
    %dma_start3A_103 = arith.constant 0 : i32
    %dma_start3A_104 = tpu.memref_slice %arg11[%dma_start3A_102, %dma_start3A_103] : memref<1024x32xf32, #tpu.memory_space<vmem>> -> memref<128x32xf32, #tpu.memory_space<vmem>>
    %dma_start3A_105 = arith.constant 384 : i32
    %dma_start3A_106 = tpu.memref_slice %arg9[%dma_start3A_105] : memref<1024xi32, #tpu.memory_space<vmem>> -> memref<128xi32, #tpu.memory_space<vmem>>
    %dma_start3A_107 = arith.constant 0 : i32
    %dma_start3A_108 = arith.constant 0 : i32
    %dma_start3A_109 = tpu.memref_slice %arg4[%dma_start3A_107, %dma_start3A_108] : memref<460800x32xf32, #tpu.memory_space<hbm>> -> memref<460800x32xf32, #tpu.memory_space<hbm>>
    tpu.enqueue_indirect_dma source(%dma_start3A_109 : memref<460800x32xf32, #tpu.memory_space<hbm>>) target(%dma_start3A_104 : memref<128x32xf32, #tpu.memory_space<vmem>>) offsets(%dma_start3A_106 : memref<128xi32, #tpu.memory_space<vmem>>) semaphore(%arg14 : memref<!tpu.dma_semaphore, #tpu.memory_space<semaphore_mem>>)
    %dma_start3A_110 = arith.constant 512 : i32
    %dma_start3A_111 = arith.constant 0 : i32
    %dma_start3A_112 = tpu.memref_slice %arg11[%dma_start3A_110, %dma_start3A_111] : memref<1024x32xf32, #tpu.memory_space<vmem>> -> memref<128x32xf32, #tpu.memory_space<vmem>>
    %dma_start3A_113 = arith.constant 512 : i32
    %dma_start3A_114 = tpu.memref_slice %arg9[%dma_start3A_113] : memref<1024xi32, #tpu.memory_space<vmem>> -> memref<128xi32, #tpu.memory_space<vmem>>
    %dma_start3A_115 = arith.constant 0 : i32
    %dma_start3A_116 = arith.constant 0 : i32
    %dma_start3A_117 = tpu.memref_slice %arg4[%dma_start3A_115, %dma_start3A_116] : memref<460800x32xf32, #tpu.memory_space<hbm>> -> memref<460800x32xf32, #tpu.memory_space<hbm>>
    tpu.enqueue_indirect_dma source(%dma_start3A_117 : memref<460800x32xf32, #tpu.memory_space<hbm>>) target(%dma_start3A_112 : memref<128x32xf32, #tpu.memory_space<vmem>>) offsets(%dma_start3A_114 : memref<128xi32, #tpu.memory_space<vmem>>) semaphore(%arg14 : memref<!tpu.dma_semaphore, #tpu.memory_space<semaphore_mem>>)
    %dma_start3A_118 = arith.constant 640 : i32
    %dma_start3A_119 = arith.constant 0 : i32
    %dma_start3A_120 = tpu.memref_slice %arg11[%dma_start3A_118, %dma_start3A_119] : memref<1024x32xf32, #tpu.memory_space<vmem>> -> memref<128x32xf32, #tpu.memory_space<vmem>>
    %dma_start3A_121 = arith.constant 640 : i32
    %dma_start3A_122 = tpu.memref_slice %arg9[%dma_start3A_121] : memref<1024xi32, #tpu.memory_space<vmem>> -> memref<128xi32, #tpu.memory_space<vmem>>
    %dma_start3A_123 = arith.constant 0 : i32
    %dma_start3A_124 = arith.constant 0 : i32
    %dma_start3A_125 = tpu.memref_slice %arg4[%dma_start3A_123, %dma_start3A_124] : memref<460800x32xf32, #tpu.memory_space<hbm>> -> memref<460800x32xf32, #tpu.memory_space<hbm>>
    tpu.enqueue_indirect_dma source(%dma_start3A_125 : memref<460800x32xf32, #tpu.memory_space<hbm>>) target(%dma_start3A_120 : memref<128x32xf32, #tpu.memory_space<vmem>>) offsets(%dma_start3A_122 : memref<128xi32, #tpu.memory_space<vmem>>) semaphore(%arg14 : memref<!tpu.dma_semaphore, #tpu.memory_space<semaphore_mem>>)
    %dma_start3A_126 = arith.constant 768 : i32
    %dma_start3A_127 = arith.constant 0 : i32
    %dma_start3A_128 = tpu.memref_slice %arg11[%dma_start3A_126, %dma_start3A_127] : memref<1024x32xf32, #tpu.memory_space<vmem>> -> memref<128x32xf32, #tpu.memory_space<vmem>>
    %dma_start3A_129 = arith.constant 768 : i32
    %dma_start3A_130 = tpu.memref_slice %arg9[%dma_start3A_129] : memref<1024xi32, #tpu.memory_space<vmem>> -> memref<128xi32, #tpu.memory_space<vmem>>
    %dma_start3A_131 = arith.constant 0 : i32
    %dma_start3A_132 = arith.constant 0 : i32
    %dma_start3A_133 = tpu.memref_slice %arg4[%dma_start3A_131, %dma_start3A_132] : memref<460800x32xf32, #tpu.memory_space<hbm>> -> memref<460800x32xf32, #tpu.memory_space<hbm>>
    tpu.enqueue_indirect_dma source(%dma_start3A_133 : memref<460800x32xf32, #tpu.memory_space<hbm>>) target(%dma_start3A_128 : memref<128x32xf32, #tpu.memory_space<vmem>>) offsets(%dma_start3A_130 : memref<128xi32, #tpu.memory_space<vmem>>) semaphore(%arg14 : memref<!tpu.dma_semaphore, #tpu.memory_space<semaphore_mem>>)
    %dma_start3A_134 = arith.constant 896 : i32
    %dma_start3A_135 = arith.constant 0 : i32
    %dma_start3A_136 = tpu.memref_slice %arg11[%dma_start3A_134, %dma_start3A_135] : memref<1024x32xf32, #tpu.memory_space<vmem>> -> memref<128x32xf32, #tpu.memory_space<vmem>>
    %dma_start3A_137 = arith.constant 896 : i32
    %dma_start3A_138 = tpu.memref_slice %arg9[%dma_start3A_137] : memref<1024xi32, #tpu.memory_space<vmem>> -> memref<128xi32, #tpu.memory_space<vmem>>
    %dma_start3A_139 = arith.constant 0 : i32
    %dma_start3A_140 = arith.constant 0 : i32
    %dma_start3A_141 = tpu.memref_slice %arg4[%dma_start3A_139, %dma_start3A_140] : memref<460800x32xf32, #tpu.memory_space<hbm>> -> memref<460800x32xf32, #tpu.memory_space<hbm>>
    tpu.enqueue_indirect_dma source(%dma_start3A_141 : memref<460800x32xf32, #tpu.memory_space<hbm>>) target(%dma_start3A_136 : memref<128x32xf32, #tpu.memory_space<vmem>>) offsets(%dma_start3A_138 : memref<128xi32, #tpu.memory_space<vmem>>) semaphore(%arg14 : memref<!tpu.dma_semaphore, #tpu.memory_space<semaphore_mem>>)
    %scan3A = arith.constant 0 : i32
    %scan3A_142 = arith.constant 120 : i32
    %scan3A_143 = arith.addi %scan3A, %scan3A_142 : i32
    %scan3A_144 = arith.constant 1 : i32
    scf.for %scan3A_146 = %scan3A to %scan3A_143 step %scan3A_144  : i32 {
      %mul3A_147 = arith.constant 1 : i32
      %mul3A_148 = arith.muli %scan3A_146, %mul3A_147 : i32
      %add3A_149 = arith.constant 0 : i32
      %add3A_150 = arith.addi %add3A_149, %mul3A_148 : i32
      %mul3A_151 = arith.constant 2 : i32
      %mul3A_152 = arith.muli %add3A_150, %mul3A_151 : i32
      %add3A_153 = arith.constant 0 : i32
      %add3A_154 = arith.addi %mul3A_152, %add3A_153 : i32
      %dma_wait3A = arith.constant 0 : i32
      %dma_wait3A_155 = arith.constant 0 : i32
      %dma_wait3A_156 = tpu.memref_slice %arg4[%dma_wait3A, %dma_wait3A_155] : memref<460800x32xf32, #tpu.memory_space<hbm>> -> memref<1024x32xf32, #tpu.memory_space<hbm>>
      %dma_wait3A_157 = arith.constant 0 : i32
      %dma_wait3A_158 = arith.constant 0 : i32
      %dma_wait3A_159 = tpu.memref_slice %arg4[%dma_wait3A_157, %dma_wait3A_158] : memref<460800x32xf32, #tpu.memory_space<hbm>> -> memref<1024x32xf32, #tpu.memory_space<hbm>>
      tpu.wait_dma2 semaphore(%arg13 : memref<!tpu.dma_semaphore, #tpu.memory_space<semaphore_mem>>) src(%dma_wait3A_159 : memref<1024x32xf32, #tpu.memory_space<hbm>>) dst(%arg8 : memref<1024x32xf32, #tpu.memory_space<vmem>>)
      %scan3A_160 = arith.constant 0 : i32
      %scan3A_161 = arith.constant 16 : i32
      %scan3A_162 = arith.addi %scan3A_160, %scan3A_161 : i32
      %scan3A_163 = arith.constant 1 : i32
      scf.for %scan3A_197 = %scan3A_160 to %scan3A_162 step %scan3A_163  : i32 {
        %mul3A_198 = arith.constant 1 : i32
        %mul3A_199 = arith.muli %scan3A_197, %mul3A_198 : i32
        %add3A_200 = arith.constant 0 : i32
        %add3A_201 = arith.addi %add3A_200, %mul3A_199 : i32
        %broadcast_in_dim3A = arith.constant 0.000000e+00 : f32
        %broadcast_in_dim3A_202 = vector.broadcast %broadcast_in_dim3A : f32 to vector<16xf32>
        %broadcast_in_dim3A_203 = arith.constant 0.000000e+00 : f32
        %broadcast_in_dim3A_204 = vector.broadcast %broadcast_in_dim3A_203 : f32 to vector<16xf32>
        %scan3A_205 = arith.constant 0 : i32
        %scan3A_206 = arith.constant 16 : i32
        %scan3A_207 = arith.addi %scan3A_205, %scan3A_206 : i32
        %scan3A_208 = arith.constant 1 : i32
        %scan3A_209:2 = scf.for %scan3A_216 = %scan3A_205 to %scan3A_207 step %scan3A_208 iter_args(%scan3A_217 = %broadcast_in_dim3A_202, %scan3A_218 = %broadcast_in_dim3A_204) -> (vector<16xf32>, vector<16xf32>)  : i32 {
          %mul3A_219 = arith.constant 64 : i32
          %mul3A_220 = arith.muli %add3A_201, %mul3A_219 : i32
          %mul3A_221 = arith.constant 4 : i32
          %mul3A_222 = arith.muli %scan3A_216, %mul3A_221 : i32
          %add3A_223 = arith.addi %mul3A_220, %mul3A_222 : i32
          %add3A_224 = arith.constant 0 : i32
          %add3A_225 = arith.addi %add3A_223, %add3A_224 : i32
          %broadcast_in_dim3A_226 = vector.broadcast %add3A_225 : i32 to vector<16xi32>
          %gather3A = tpu.vector_load_idx %arg7[%broadcast_in_dim3A_226] : memref<1024xf32, #tpu.memory_space<vmem>>[vector<16xi32>], vector<16xf32>,
          %get3A = arith.index_cast %add3A_225 : i32 to index
          %get3A_227 = arith.constant 0 : index
          %get3A_228 = tpu.vector_load %arg8[%get3A, %get3A_227] {strides = array<i32>} : memref<1024x32xf32, #tpu.memory_space<vmem>>, vector<16xf32>,
          %get3A_229 = arith.index_cast %add3A_225 : i32 to index
          %get3A_230 = arith.constant 16 : index
          %get3A_231 = tpu.vector_load %arg8[%get3A_229, %get3A_230] {strides = array<i32>} : memref<1024x32xf32, #tpu.memory_space<vmem>>, vector<16xf32>,
          %mul3A_232 = arith.mulf %gather3A, %get3A_228 : vector<16xf32>
          %add3A_233 = arith.addf %scan3A_217, %mul3A_232 : vector<16xf32>
          %mul3A_234 = arith.mulf %gather3A, %get3A_231 : vector<16xf32>
          %add3A_235 = arith.addf %scan3A_218, %mul3A_234 : vector<16xf32>
          %mul3A_236 = arith.constant 64 : i32
          %mul3A_237 = arith.muli %add3A_201, %mul3A_236 : i32
          %mul3A_238 = arith.constant 4 : i32
          %mul3A_239 = arith.muli %scan3A_216, %mul3A_238 : i32
          %add3A_240 = arith.addi %mul3A_237, %mul3A_239 : i32
          %add3A_241 = arith.constant 1 : i32
          %add3A_242 = arith.addi %add3A_240, %add3A_241 : i32
          %broadcast_in_dim3A_243 = vector.broadcast %add3A_242 : i32 to vector<16xi32>
          %gather3A_244 = tpu.vector_load_idx %arg7[%broadcast_in_dim3A_243] : memref<1024xf32, #tpu.memory_space<vmem>>[vector<16xi32>], vector<16xf32>,
          %get3A_245 = arith.index_cast %add3A_242 : i32 to index
          %get3A_246 = arith.constant 0 : index
          %get3A_247 = tpu.vector_load %arg8[%get3A_245, %get3A_246] {strides = array<i32>} : memref<1024x32xf32, #tpu.memory_space<vmem>>, vector<16xf32>,
          %get3A_248 = arith.index_cast %add3A_242 : i32 to index
          %get3A_249 = arith.constant 16 : index
          %get3A_250 = tpu.vector_load %arg8[%get3A_248, %get3A_249] {strides = array<i32>} : memref<1024x32xf32, #tpu.memory_space<vmem>>, vector<16xf32>,
          %mul3A_251 = arith.mulf %gather3A_244, %get3A_247 : vector<16xf32>
          %add3A_252 = arith.addf %add3A_233, %mul3A_251 : vector<16xf32>
          %mul3A_253 = arith.mulf %gather3A_244, %get3A_250 : vector<16xf32>
          %add3A_254 = arith.addf %add3A_235, %mul3A_253 : vector<16xf32>
          %mul3A_255 = arith.constant 64 : i32
          %mul3A_256 = arith.muli %add3A_201, %mul3A_255 : i32
          %mul3A_257 = arith.constant 4 : i32
          %mul3A_258 = arith.muli %scan3A_216, %mul3A_257 : i32
          %add3A_259 = arith.addi %mul3A_256, %mul3A_258 : i32
          %add3A_260 = arith.constant 2 : i32
          %add3A_261 = arith.addi %add3A_259, %add3A_260 : i32
          %broadcast_in_dim3A_262 = vector.broadcast %add3A_261 : i32 to vector<16xi32>
          %gather3A_263 = tpu.vector_load_idx %arg7[%broadcast_in_dim3A_262] : memref<1024xf32, #tpu.memory_space<vmem>>[vector<16xi32>], vector<16xf32>,
          %get3A_264 = arith.index_cast %add3A_261 : i32 to index
          %get3A_265 = arith.constant 0 : index
          %get3A_266 = tpu.vector_load %arg8[%get3A_264, %get3A_265] {strides = array<i32>} : memref<1024x32xf32, #tpu.memory_space<vmem>>, vector<16xf32>,
          %get3A_267 = arith.index_cast %add3A_261 : i32 to index
          %get3A_268 = arith.constant 16 : index
          %get3A_269 = tpu.vector_load %arg8[%get3A_267, %get3A_268] {strides = array<i32>} : memref<1024x32xf32, #tpu.memory_space<vmem>>, vector<16xf32>,
          %mul3A_270 = arith.mulf %gather3A_263, %get3A_266 : vector<16xf32>
          %add3A_271 = arith.addf %add3A_252, %mul3A_270 : vector<16xf32>
          %mul3A_272 = arith.mulf %gather3A_263, %get3A_269 : vector<16xf32>
          %add3A_273 = arith.addf %add3A_254, %mul3A_272 : vector<16xf32>
          %mul3A_274 = arith.constant 64 : i32
          %mul3A_275 = arith.muli %add3A_201, %mul3A_274 : i32
          %mul3A_276 = arith.constant 4 : i32
          %mul3A_277 = arith.muli %scan3A_216, %mul3A_276 : i32
          %add3A_278 = arith.addi %mul3A_275, %mul3A_277 : i32
          %add3A_279 = arith.constant 3 : i32
          %add3A_280 = arith.addi %add3A_278, %add3A_279 : i32
          %broadcast_in_dim3A_281 = vector.broadcast %add3A_280 : i32 to vector<16xi32>
          %gather3A_282 = tpu.vector_load_idx %arg7[%broadcast_in_dim3A_281] : memref<1024xf32, #tpu.memory_space<vmem>>[vector<16xi32>], vector<16xf32>,
          %get3A_283 = arith.index_cast %add3A_280 : i32 to index
          %get3A_284 = arith.constant 0 : index
          %get3A_285 = tpu.vector_load %arg8[%get3A_283, %get3A_284] {strides = array<i32>} : memref<1024x32xf32, #tpu.memory_space<vmem>>, vector<16xf32>,
          %get3A_286 = arith.index_cast %add3A_280 : i32 to index
          %get3A_287 = arith.constant 16 : index
          %get3A_288 = tpu.vector_load %arg8[%get3A_286, %get3A_287] {strides = array<i32>} : memref<1024x32xf32, #tpu.memory_space<vmem>>, vector<16xf32>,
          %mul3A_289 = arith.mulf %gather3A_282, %get3A_285 : vector<16xf32>
          %add3A_290 = arith.addf %add3A_271, %mul3A_289 : vector<16xf32>
          %mul3A_291 = arith.mulf %gather3A_282, %get3A_288 : vector<16xf32>
          %add3A_292 = arith.addf %add3A_273, %mul3A_291 : vector<16xf32>
          scf.yield %add3A_290, %add3A_292 : vector<16xf32>, vector<16xf32>
        }
        %scan3A_210 = arith.constant 16 : i32
        %swap3A = arith.index_cast %add3A_201 : i32 to index
        %swap3A_211 = arith.constant 0 : index
        %swap3A_212 = tpu.vector_load %arg12[%swap3A, %swap3A_211] {strides = array<i32>} : memref<16x32xf32, #tpu.memory_space<vmem>>, vector<16xf32>,
        tpu.vector_store %arg12[%swap3A, %swap3A_211], %scan3A_209#0 {strides = array<i32>} : memref<16x32xf32, #tpu.memory_space<vmem>>, vector<16xf32>,
        %swap3A_213 = arith.index_cast %add3A_201 : i32 to index
        %swap3A_214 = arith.constant 16 : index
        %swap3A_215 = tpu.vector_load %arg12[%swap3A_213, %swap3A_214] {strides = array<i32>} : memref<16x32xf32, #tpu.memory_space<vmem>>, vector<16xf32>,
        tpu.vector_store %arg12[%swap3A_213, %swap3A_214], %scan3A_209#1 {strides = array<i32>} : memref<16x32xf32, #tpu.memory_space<vmem>>, vector<16xf32>,
      }
      %scan3A_164 = arith.constant 16 : i32
      %mul3A_165 = arith.constant 16 : i32
      %mul3A_166 = arith.muli %add3A_154, %mul3A_165 : i32
      %add3A_167 = arith.addi %mul3A_2, %mul3A_166 : i32
      "tpu.region"() ({
        %run_scoped3A = tpu.sem_alloc : memref<!tpu.dma_semaphore, #tpu.memory_space<semaphore_mem>>
        %dma_start3A_197 = arith.constant 0 : i32
        %dma_start3A_198 = tpu.memref_slice %arg5[%add3A_167, %dma_start3A_197] : memref<122880x32xf32, #tpu.memory_space<hbm>> -> memref<16x32xf32, #tpu.memory_space<hbm>>
        %dma_start3A_199 = arith.constant 0 : i32
        %dma_start3A_200 = tpu.memref_slice %arg5[%add3A_167, %dma_start3A_199] : memref<122880x32xf32, #tpu.memory_space<hbm>> -> memref<16x32xf32, #tpu.memory_space<hbm>>
        tpu.enqueue_dma source(%arg12 : memref<16x32xf32, #tpu.memory_space<vmem>>) target(%dma_start3A_200 : memref<16x32xf32, #tpu.memory_space<hbm>>) target_semaphore(%run_scoped3A : memref<!tpu.dma_semaphore, #tpu.memory_space<semaphore_mem>>)
        %dma_wait3A_201 = arith.constant 0 : i32
        %dma_wait3A_202 = tpu.memref_slice %arg5[%add3A_167, %dma_wait3A_201] : memref<122880x32xf32, #tpu.memory_space<hbm>> -> memref<16x32xf32, #tpu.memory_space<hbm>>
        %dma_wait3A_203 = arith.constant 0 : i32
        %dma_wait3A_204 = tpu.memref_slice %arg5[%add3A_167, %dma_wait3A_203] : memref<122880x32xf32, #tpu.memory_space<hbm>> -> memref<16x32xf32, #tpu.memory_space<hbm>>
        tpu.wait_dma2 semaphore(%run_scoped3A : memref<!tpu.dma_semaphore, #tpu.memory_space<semaphore_mem>>) src(%arg12 : memref<16x32xf32, #tpu.memory_space<vmem>>) dst(%dma_wait3A_204 : memref<16x32xf32, #tpu.memory_space<hbm>>)
        tpu.yield
      }) : () -> ()
      %add3A_168 = arith.constant 2 : i32
      %add3A_169 = arith.addi %add3A_154, %add3A_168 : i32
      %lt3A = arith.constant 240 : i32
      %lt3A_170 = arith.cmpi slt, %add3A_169, %lt3A : i32
      %convert_element_type3A = arith.extui %lt3A_170 : i1 to i32
      %cond3A = arith.constant 0 : i32
      %cond3A_171 = arith.cmpi ne, %convert_element_type3A, %cond3A : i32
      scf.if %cond3A_171 {
        %add3A_197 = arith.constant 2 : i32
        %add3A_198 = arith.addi %add3A_154, %add3A_197 : i32
        %mul3A_199 = arith.constant 16 : i32
        %mul3A_200 = arith.muli %add3A_198, %mul3A_199 : i32
        %add3A_201 = arith.addi %mul3A_2, %mul3A_200 : i32
        %mul3A_202 = arith.constant 64 : i32
        %mul3A_203 = arith.muli %add3A_201, %mul3A_202 : i32
        "tpu.region"() ({
          %run_scoped3A = tpu.sem_alloc : memref<!tpu.dma_semaphore, #tpu.memory_space<semaphore_mem>>
          %dma_start3A_270 = tpu.memref_slice %arg2[%mul3A_203] : memref<7864320xi32, #tpu.memory_space<hbm>> -> memref<1024xi32, #tpu.memory_space<hbm>>
          %dma_start3A_271 = tpu.memref_slice %arg2[%mul3A_203] : memref<7864320xi32, #tpu.memory_space<hbm>> -> memref<1024xi32, #tpu.memory_space<hbm>>
          tpu.enqueue_dma source(%dma_start3A_271 : memref<1024xi32, #tpu.memory_space<hbm>>) target(%arg6 : memref<1024xi32, #tpu.memory_space<vmem>>) target_semaphore(%run_scoped3A : memref<!tpu.dma_semaphore, #tpu.memory_space<semaphore_mem>>)
          %dma_wait3A_272 = tpu.memref_slice %arg2[%mul3A_203] : memref<7864320xi32, #tpu.memory_space<hbm>> -> memref<1024xi32, #tpu.memory_space<hbm>>
          %dma_wait3A_273 = tpu.memref_slice %arg2[%mul3A_203] : memref<7864320xi32, #tpu.memory_space<hbm>> -> memref<1024xi32, #tpu.memory_space<hbm>>
          tpu.wait_dma2 semaphore(%run_scoped3A : memref<!tpu.dma_semaphore, #tpu.memory_space<semaphore_mem>>) src(%dma_wait3A_273 : memref<1024xi32, #tpu.memory_space<hbm>>) dst(%arg6 : memref<1024xi32, #tpu.memory_space<vmem>>)
          tpu.yield
        }) : () -> ()
        %mul3A_204 = arith.constant 64 : i32
        %mul3A_205 = arith.muli %add3A_201, %mul3A_204 : i32
        "tpu.region"() ({
          %run_scoped3A = tpu.sem_alloc : memref<!tpu.dma_semaphore, #tpu.memory_space<semaphore_mem>>
          %dma_start3A_270 = tpu.memref_slice %arg3[%mul3A_205] : memref<7864320xf32, #tpu.memory_space<hbm>> -> memref<1024xf32, #tpu.memory_space<hbm>>
          %dma_start3A_271 = tpu.memref_slice %arg3[%mul3A_205] : memref<7864320xf32, #tpu.memory_space<hbm>> -> memref<1024xf32, #tpu.memory_space<hbm>>
          tpu.enqueue_dma source(%dma_start3A_271 : memref<1024xf32, #tpu.memory_space<hbm>>) target(%arg7 : memref<1024xf32, #tpu.memory_space<vmem>>) target_semaphore(%run_scoped3A : memref<!tpu.dma_semaphore, #tpu.memory_space<semaphore_mem>>)
          %dma_wait3A_272 = tpu.memref_slice %arg3[%mul3A_205] : memref<7864320xf32, #tpu.memory_space<hbm>> -> memref<1024xf32, #tpu.memory_space<hbm>>
          %dma_wait3A_273 = tpu.memref_slice %arg3[%mul3A_205] : memref<7864320xf32, #tpu.memory_space<hbm>> -> memref<1024xf32, #tpu.memory_space<hbm>>
          tpu.wait_dma2 semaphore(%run_scoped3A : memref<!tpu.dma_semaphore, #tpu.memory_space<semaphore_mem>>) src(%dma_wait3A_273 : memref<1024xf32, #tpu.memory_space<hbm>>) dst(%arg7 : memref<1024xf32, #tpu.memory_space<vmem>>)
          tpu.yield
        }) : () -> ()
        %dma_start3A_206 = arith.constant 0 : i32
        %dma_start3A_207 = arith.constant 0 : i32
        %dma_start3A_208 = tpu.memref_slice %arg8[%dma_start3A_206, %dma_start3A_207] : memref<1024x32xf32, #tpu.memory_space<vmem>> -> memref<128x32xf32, #tpu.memory_space<vmem>>
        %dma_start3A_209 = arith.constant 0 : i32
        %dma_start3A_210 = tpu.memref_slice %arg6[%dma_start3A_209] : memref<1024xi32, #tpu.memory_space<vmem>> -> memref<128xi32, #tpu.memory_space<vmem>>
        %dma_start3A_211 = arith.constant 0 : i32
        %dma_start3A_212 = arith.constant 0 : i32
        %dma_start3A_213 = tpu.memref_slice %arg4[%dma_start3A_211, %dma_start3A_212] : memref<460800x32xf32, #tpu.memory_space<hbm>> -> memref<460800x32xf32, #tpu.memory_space<hbm>>
        tpu.enqueue_indirect_dma source(%dma_start3A_213 : memref<460800x32xf32, #tpu.memory_space<hbm>>) target(%dma_start3A_208 : memref<128x32xf32, #tpu.memory_space<vmem>>) offsets(%dma_start3A_210 : memref<128xi32, #tpu.memory_space<vmem>>) semaphore(%arg13 : memref<!tpu.dma_semaphore, #tpu.memory_space<semaphore_mem>>)
        %dma_start3A_214 = arith.constant 128 : i32
        %dma_start3A_215 = arith.constant 0 : i32
        %dma_start3A_216 = tpu.memref_slice %arg8[%dma_start3A_214, %dma_start3A_215] : memref<1024x32xf32, #tpu.memory_space<vmem>> -> memref<128x32xf32, #tpu.memory_space<vmem>>
        %dma_start3A_217 = arith.constant 128 : i32
        %dma_start3A_218 = tpu.memref_slice %arg6[%dma_start3A_217] : memref<1024xi32, #tpu.memory_space<vmem>> -> memref<128xi32, #tpu.memory_space<vmem>>
        %dma_start3A_219 = arith.constant 0 : i32
        %dma_start3A_220 = arith.constant 0 : i32
        %dma_start3A_221 = tpu.memref_slice %arg4[%dma_start3A_219, %dma_start3A_220] : memref<460800x32xf32, #tpu.memory_space<hbm>> -> memref<460800x32xf32, #tpu.memory_space<hbm>>
        tpu.enqueue_indirect_dma source(%dma_start3A_221 : memref<460800x32xf32, #tpu.memory_space<hbm>>) target(%dma_start3A_216 : memref<128x32xf32, #tpu.memory_space<vmem>>) offsets(%dma_start3A_218 : memref<128xi32, #tpu.memory_space<vmem>>) semaphore(%arg13 : memref<!tpu.dma_semaphore, #tpu.memory_space<semaphore_mem>>)
        %dma_start3A_222 = arith.constant 256 : i32
        %dma_start3A_223 = arith.constant 0 : i32
        %dma_start3A_224 = tpu.memref_slice %arg8[%dma_start3A_222, %dma_start3A_223] : memref<1024x32xf32, #tpu.memory_space<vmem>> -> memref<128x32xf32, #tpu.memory_space<vmem>>
        %dma_start3A_225 = arith.constant 256 : i32
        %dma_start3A_226 = tpu.memref_slice %arg6[%dma_start3A_225] : memref<1024xi32, #tpu.memory_space<vmem>> -> memref<128xi32, #tpu.memory_space<vmem>>
        %dma_start3A_227 = arith.constant 0 : i32
        %dma_start3A_228 = arith.constant 0 : i32
        %dma_start3A_229 = tpu.memref_slice %arg4[%dma_start3A_227, %dma_start3A_228] : memref<460800x32xf32, #tpu.memory_space<hbm>> -> memref<460800x32xf32, #tpu.memory_space<hbm>>
        tpu.enqueue_indirect_dma source(%dma_start3A_229 : memref<460800x32xf32, #tpu.memory_space<hbm>>) target(%dma_start3A_224 : memref<128x32xf32, #tpu.memory_space<vmem>>) offsets(%dma_start3A_226 : memref<128xi32, #tpu.memory_space<vmem>>) semaphore(%arg13 : memref<!tpu.dma_semaphore, #tpu.memory_space<semaphore_mem>>)
        %dma_start3A_230 = arith.constant 384 : i32
        %dma_start3A_231 = arith.constant 0 : i32
        %dma_start3A_232 = tpu.memref_slice %arg8[%dma_start3A_230, %dma_start3A_231] : memref<1024x32xf32, #tpu.memory_space<vmem>> -> memref<128x32xf32, #tpu.memory_space<vmem>>
        %dma_start3A_233 = arith.constant 384 : i32
        %dma_start3A_234 = tpu.memref_slice %arg6[%dma_start3A_233] : memref<1024xi32, #tpu.memory_space<vmem>> -> memref<128xi32, #tpu.memory_space<vmem>>
        %dma_start3A_235 = arith.constant 0 : i32
        %dma_start3A_236 = arith.constant 0 : i32
        %dma_start3A_237 = tpu.memref_slice %arg4[%dma_start3A_235, %dma_start3A_236] : memref<460800x32xf32, #tpu.memory_space<hbm>> -> memref<460800x32xf32, #tpu.memory_space<hbm>>
        tpu.enqueue_indirect_dma source(%dma_start3A_237 : memref<460800x32xf32, #tpu.memory_space<hbm>>) target(%dma_start3A_232 : memref<128x32xf32, #tpu.memory_space<vmem>>) offsets(%dma_start3A_234 : memref<128xi32, #tpu.memory_space<vmem>>) semaphore(%arg13 : memref<!tpu.dma_semaphore, #tpu.memory_space<semaphore_mem>>)
        %dma_start3A_238 = arith.constant 512 : i32
        %dma_start3A_239 = arith.constant 0 : i32
        %dma_start3A_240 = tpu.memref_slice %arg8[%dma_start3A_238, %dma_start3A_239] : memref<1024x32xf32, #tpu.memory_space<vmem>> -> memref<128x32xf32, #tpu.memory_space<vmem>>
        %dma_start3A_241 = arith.constant 512 : i32
        %dma_start3A_242 = tpu.memref_slice %arg6[%dma_start3A_241] : memref<1024xi32, #tpu.memory_space<vmem>> -> memref<128xi32, #tpu.memory_space<vmem>>
        %dma_start3A_243 = arith.constant 0 : i32
        %dma_start3A_244 = arith.constant 0 : i32
        %dma_start3A_245 = tpu.memref_slice %arg4[%dma_start3A_243, %dma_start3A_244] : memref<460800x32xf32, #tpu.memory_space<hbm>> -> memref<460800x32xf32, #tpu.memory_space<hbm>>
        tpu.enqueue_indirect_dma source(%dma_start3A_245 : memref<460800x32xf32, #tpu.memory_space<hbm>>) target(%dma_start3A_240 : memref<128x32xf32, #tpu.memory_space<vmem>>) offsets(%dma_start3A_242 : memref<128xi32, #tpu.memory_space<vmem>>) semaphore(%arg13 : memref<!tpu.dma_semaphore, #tpu.memory_space<semaphore_mem>>)
        %dma_start3A_246 = arith.constant 640 : i32
        %dma_start3A_247 = arith.constant 0 : i32
        %dma_start3A_248 = tpu.memref_slice %arg8[%dma_start3A_246, %dma_start3A_247] : memref<1024x32xf32, #tpu.memory_space<vmem>> -> memref<128x32xf32, #tpu.memory_space<vmem>>
        %dma_start3A_249 = arith.constant 640 : i32
        %dma_start3A_250 = tpu.memref_slice %arg6[%dma_start3A_249] : memref<1024xi32, #tpu.memory_space<vmem>> -> memref<128xi32, #tpu.memory_space<vmem>>
        %dma_start3A_251 = arith.constant 0 : i32
        %dma_start3A_252 = arith.constant 0 : i32
        %dma_start3A_253 = tpu.memref_slice %arg4[%dma_start3A_251, %dma_start3A_252] : memref<460800x32xf32, #tpu.memory_space<hbm>> -> memref<460800x32xf32, #tpu.memory_space<hbm>>
        tpu.enqueue_indirect_dma source(%dma_start3A_253 : memref<460800x32xf32, #tpu.memory_space<hbm>>) target(%dma_start3A_248 : memref<128x32xf32, #tpu.memory_space<vmem>>) offsets(%dma_start3A_250 : memref<128xi32, #tpu.memory_space<vmem>>) semaphore(%arg13 : memref<!tpu.dma_semaphore, #tpu.memory_space<semaphore_mem>>)
        %dma_start3A_254 = arith.constant 768 : i32
        %dma_start3A_255 = arith.constant 0 : i32
        %dma_start3A_256 = tpu.memref_slice %arg8[%dma_start3A_254, %dma_start3A_255] : memref<1024x32xf32, #tpu.memory_space<vmem>> -> memref<128x32xf32, #tpu.memory_space<vmem>>
        %dma_start3A_257 = arith.constant 768 : i32
        %dma_start3A_258 = tpu.memref_slice %arg6[%dma_start3A_257] : memref<1024xi32, #tpu.memory_space<vmem>> -> memref<128xi32, #tpu.memory_space<vmem>>
        %dma_start3A_259 = arith.constant 0 : i32
        %dma_start3A_260 = arith.constant 0 : i32
        %dma_start3A_261 = tpu.memref_slice %arg4[%dma_start3A_259, %dma_start3A_260] : memref<460800x32xf32, #tpu.memory_space<hbm>> -> memref<460800x32xf32, #tpu.memory_space<hbm>>
        tpu.enqueue_indirect_dma source(%dma_start3A_261 : memref<460800x32xf32, #tpu.memory_space<hbm>>) target(%dma_start3A_256 : memref<128x32xf32, #tpu.memory_space<vmem>>) offsets(%dma_start3A_258 : memref<128xi32, #tpu.memory_space<vmem>>) semaphore(%arg13 : memref<!tpu.dma_semaphore, #tpu.memory_space<semaphore_mem>>)
        %dma_start3A_262 = arith.constant 896 : i32
        %dma_start3A_263 = arith.constant 0 : i32
        %dma_start3A_264 = tpu.memref_slice %arg8[%dma_start3A_262, %dma_start3A_263] : memref<1024x32xf32, #tpu.memory_space<vmem>> -> memref<128x32xf32, #tpu.memory_space<vmem>>
        %dma_start3A_265 = arith.constant 896 : i32
        %dma_start3A_266 = tpu.memref_slice %arg6[%dma_start3A_265] : memref<1024xi32, #tpu.memory_space<vmem>> -> memref<128xi32, #tpu.memory_space<vmem>>
        %dma_start3A_267 = arith.constant 0 : i32
        %dma_start3A_268 = arith.constant 0 : i32
        %dma_start3A_269 = tpu.memref_slice %arg4[%dma_start3A_267, %dma_start3A_268] : memref<460800x32xf32, #tpu.memory_space<hbm>> -> memref<460800x32xf32, #tpu.memory_space<hbm>>
        tpu.enqueue_indirect_dma source(%dma_start3A_269 : memref<460800x32xf32, #tpu.memory_space<hbm>>) target(%dma_start3A_264 : memref<128x32xf32, #tpu.memory_space<vmem>>) offsets(%dma_start3A_266 : memref<128xi32, #tpu.memory_space<vmem>>) semaphore(%arg13 : memref<!tpu.dma_semaphore, #tpu.memory_space<semaphore_mem>>)
      } else {
      }
      %mul3A_172 = arith.constant 2 : i32
      %mul3A_173 = arith.muli %add3A_150, %mul3A_172 : i32
      %add3A_174 = arith.constant 1 : i32
      %add3A_175 = arith.addi %mul3A_173, %add3A_174 : i32
      %dma_wait3A_176 = arith.constant 0 : i32
      %dma_wait3A_177 = arith.constant 0 : i32
      %dma_wait3A_178 = tpu.memref_slice %arg4[%dma_wait3A_176, %dma_wait3A_177] : memref<460800x32xf32, #tpu.memory_space<hbm>> -> memref<1024x32xf32, #tpu.memory_space<hbm>>
      %dma_wait3A_179 = arith.constant 0 : i32
      %dma_wait3A_180 = arith.constant 0 : i32
      %dma_wait3A_181 = tpu.memref_slice %arg4[%dma_wait3A_179, %dma_wait3A_180] : memref<460800x32xf32, #tpu.memory_space<hbm>> -> memref<1024x32xf32, #tpu.memory_space<hbm>>
      tpu.wait_dma2 semaphore(%arg14 : memref<!tpu.dma_semaphore, #tpu.memory_space<semaphore_mem>>) src(%dma_wait3A_181 : memref<1024x32xf32, #tpu.memory_space<hbm>>) dst(%arg11 : memref<1024x32xf32, #tpu.memory_space<vmem>>)
      %scan3A_182 = arith.constant 0 : i32
      %scan3A_183 = arith.constant 16 : i32
      %scan3A_184 = arith.addi %scan3A_182, %scan3A_183 : i32
      %scan3A_185 = arith.constant 1 : i32
      scf.for %scan3A_197 = %scan3A_182 to %scan3A_184 step %scan3A_185  : i32 {
        %mul3A_198 = arith.constant 1 : i32
        %mul3A_199 = arith.muli %scan3A_197, %mul3A_198 : i32
        %add3A_200 = arith.constant 0 : i32
        %add3A_201 = arith.addi %add3A_200, %mul3A_199 : i32
        %broadcast_in_dim3A = arith.constant 0.000000e+00 : f32
        %broadcast_in_dim3A_202 = vector.broadcast %broadcast_in_dim3A : f32 to vector<16xf32>
        %broadcast_in_dim3A_203 = arith.constant 0.000000e+00 : f32
        %broadcast_in_dim3A_204 = vector.broadcast %broadcast_in_dim3A_203 : f32 to vector<16xf32>
        %scan3A_205 = arith.constant 0 : i32
        %scan3A_206 = arith.constant 16 : i32
        %scan3A_207 = arith.addi %scan3A_205, %scan3A_206 : i32
        %scan3A_208 = arith.constant 1 : i32
        %scan3A_209:2 = scf.for %scan3A_216 = %scan3A_205 to %scan3A_207 step %scan3A_208 iter_args(%scan3A_217 = %broadcast_in_dim3A_202, %scan3A_218 = %broadcast_in_dim3A_204) -> (vector<16xf32>, vector<16xf32>)  : i32 {
          %mul3A_219 = arith.constant 64 : i32
          %mul3A_220 = arith.muli %add3A_201, %mul3A_219 : i32
          %mul3A_221 = arith.constant 4 : i32
          %mul3A_222 = arith.muli %scan3A_216, %mul3A_221 : i32
          %add3A_223 = arith.addi %mul3A_220, %mul3A_222 : i32
          %add3A_224 = arith.constant 0 : i32
          %add3A_225 = arith.addi %add3A_223, %add3A_224 : i32
          %broadcast_in_dim3A_226 = vector.broadcast %add3A_225 : i32 to vector<16xi32>
          %gather3A = tpu.vector_load_idx %arg10[%broadcast_in_dim3A_226] : memref<1024xf32, #tpu.memory_space<vmem>>[vector<16xi32>], vector<16xf32>,
          %get3A = arith.index_cast %add3A_225 : i32 to index
          %get3A_227 = arith.constant 0 : index
          %get3A_228 = tpu.vector_load %arg11[%get3A, %get3A_227] {strides = array<i32>} : memref<1024x32xf32, #tpu.memory_space<vmem>>, vector<16xf32>,
          %get3A_229 = arith.index_cast %add3A_225 : i32 to index
          %get3A_230 = arith.constant 16 : index
          %get3A_231 = tpu.vector_load %arg11[%get3A_229, %get3A_230] {strides = array<i32>} : memref<1024x32xf32, #tpu.memory_space<vmem>>, vector<16xf32>,
          %mul3A_232 = arith.mulf %gather3A, %get3A_228 : vector<16xf32>
          %add3A_233 = arith.addf %scan3A_217, %mul3A_232 : vector<16xf32>
          %mul3A_234 = arith.mulf %gather3A, %get3A_231 : vector<16xf32>
          %add3A_235 = arith.addf %scan3A_218, %mul3A_234 : vector<16xf32>
          %mul3A_236 = arith.constant 64 : i32
          %mul3A_237 = arith.muli %add3A_201, %mul3A_236 : i32
          %mul3A_238 = arith.constant 4 : i32
          %mul3A_239 = arith.muli %scan3A_216, %mul3A_238 : i32
          %add3A_240 = arith.addi %mul3A_237, %mul3A_239 : i32
          %add3A_241 = arith.constant 1 : i32
          %add3A_242 = arith.addi %add3A_240, %add3A_241 : i32
          %broadcast_in_dim3A_243 = vector.broadcast %add3A_242 : i32 to vector<16xi32>
          %gather3A_244 = tpu.vector_load_idx %arg10[%broadcast_in_dim3A_243] : memref<1024xf32, #tpu.memory_space<vmem>>[vector<16xi32>], vector<16xf32>,
          %get3A_245 = arith.index_cast %add3A_242 : i32 to index
          %get3A_246 = arith.constant 0 : index
          %get3A_247 = tpu.vector_load %arg11[%get3A_245, %get3A_246] {strides = array<i32>} : memref<1024x32xf32, #tpu.memory_space<vmem>>, vector<16xf32>,
          %get3A_248 = arith.index_cast %add3A_242 : i32 to index
          %get3A_249 = arith.constant 16 : index
          %get3A_250 = tpu.vector_load %arg11[%get3A_248, %get3A_249] {strides = array<i32>} : memref<1024x32xf32, #tpu.memory_space<vmem>>, vector<16xf32>,
          %mul3A_251 = arith.mulf %gather3A_244, %get3A_247 : vector<16xf32>
          %add3A_252 = arith.addf %add3A_233, %mul3A_251 : vector<16xf32>
          %mul3A_253 = arith.mulf %gather3A_244, %get3A_250 : vector<16xf32>
          %add3A_254 = arith.addf %add3A_235, %mul3A_253 : vector<16xf32>
          %mul3A_255 = arith.constant 64 : i32
          %mul3A_256 = arith.muli %add3A_201, %mul3A_255 : i32
          %mul3A_257 = arith.constant 4 : i32
          %mul3A_258 = arith.muli %scan3A_216, %mul3A_257 : i32
          %add3A_259 = arith.addi %mul3A_256, %mul3A_258 : i32
          %add3A_260 = arith.constant 2 : i32
          %add3A_261 = arith.addi %add3A_259, %add3A_260 : i32
          %broadcast_in_dim3A_262 = vector.broadcast %add3A_261 : i32 to vector<16xi32>
          %gather3A_263 = tpu.vector_load_idx %arg10[%broadcast_in_dim3A_262] : memref<1024xf32, #tpu.memory_space<vmem>>[vector<16xi32>], vector<16xf32>,
          %get3A_264 = arith.index_cast %add3A_261 : i32 to index
          %get3A_265 = arith.constant 0 : index
          %get3A_266 = tpu.vector_load %arg11[%get3A_264, %get3A_265] {strides = array<i32>} : memref<1024x32xf32, #tpu.memory_space<vmem>>, vector<16xf32>,
          %get3A_267 = arith.index_cast %add3A_261 : i32 to index
          %get3A_268 = arith.constant 16 : index
          %get3A_269 = tpu.vector_load %arg11[%get3A_267, %get3A_268] {strides = array<i32>} : memref<1024x32xf32, #tpu.memory_space<vmem>>, vector<16xf32>,
          %mul3A_270 = arith.mulf %gather3A_263, %get3A_266 : vector<16xf32>
          %add3A_271 = arith.addf %add3A_252, %mul3A_270 : vector<16xf32>
          %mul3A_272 = arith.mulf %gather3A_263, %get3A_269 : vector<16xf32>
          %add3A_273 = arith.addf %add3A_254, %mul3A_272 : vector<16xf32>
          %mul3A_274 = arith.constant 64 : i32
          %mul3A_275 = arith.muli %add3A_201, %mul3A_274 : i32
          %mul3A_276 = arith.constant 4 : i32
          %mul3A_277 = arith.muli %scan3A_216, %mul3A_276 : i32
          %add3A_278 = arith.addi %mul3A_275, %mul3A_277 : i32
          %add3A_279 = arith.constant 3 : i32
          %add3A_280 = arith.addi %add3A_278, %add3A_279 : i32
          %broadcast_in_dim3A_281 = vector.broadcast %add3A_280 : i32 to vector<16xi32>
          %gather3A_282 = tpu.vector_load_idx %arg10[%broadcast_in_dim3A_281] : memref<1024xf32, #tpu.memory_space<vmem>>[vector<16xi32>], vector<16xf32>,
          %get3A_283 = arith.index_cast %add3A_280 : i32 to index
          %get3A_284 = arith.constant 0 : index
          %get3A_285 = tpu.vector_load %arg11[%get3A_283, %get3A_284] {strides = array<i32>} : memref<1024x32xf32, #tpu.memory_space<vmem>>, vector<16xf32>,
          %get3A_286 = arith.index_cast %add3A_280 : i32 to index
          %get3A_287 = arith.constant 16 : index
          %get3A_288 = tpu.vector_load %arg11[%get3A_286, %get3A_287] {strides = array<i32>} : memref<1024x32xf32, #tpu.memory_space<vmem>>, vector<16xf32>,
          %mul3A_289 = arith.mulf %gather3A_282, %get3A_285 : vector<16xf32>
          %add3A_290 = arith.addf %add3A_271, %mul3A_289 : vector<16xf32>
          %mul3A_291 = arith.mulf %gather3A_282, %get3A_288 : vector<16xf32>
          %add3A_292 = arith.addf %add3A_273, %mul3A_291 : vector<16xf32>
          scf.yield %add3A_290, %add3A_292 : vector<16xf32>, vector<16xf32>
        }
        %scan3A_210 = arith.constant 16 : i32
        %swap3A = arith.index_cast %add3A_201 : i32 to index
        %swap3A_211 = arith.constant 0 : index
        %swap3A_212 = tpu.vector_load %arg12[%swap3A, %swap3A_211] {strides = array<i32>} : memref<16x32xf32, #tpu.memory_space<vmem>>, vector<16xf32>,
        tpu.vector_store %arg12[%swap3A, %swap3A_211], %scan3A_209#0 {strides = array<i32>} : memref<16x32xf32, #tpu.memory_space<vmem>>, vector<16xf32>,
        %swap3A_213 = arith.index_cast %add3A_201 : i32 to index
        %swap3A_214 = arith.constant 16 : index
        %swap3A_215 = tpu.vector_load %arg12[%swap3A_213, %swap3A_214] {strides = array<i32>} : memref<16x32xf32, #tpu.memory_space<vmem>>, vector<16xf32>,
        tpu.vector_store %arg12[%swap3A_213, %swap3A_214], %scan3A_209#1 {strides = array<i32>} : memref<16x32xf32, #tpu.memory_space<vmem>>, vector<16xf32>,
      }
      %scan3A_186 = arith.constant 16 : i32
      %mul3A_187 = arith.constant 16 : i32
      %mul3A_188 = arith.muli %add3A_175, %mul3A_187 : i32
      %add3A_189 = arith.addi %mul3A_2, %mul3A_188 : i32
      "tpu.region"() ({
        %run_scoped3A = tpu.sem_alloc : memref<!tpu.dma_semaphore, #tpu.memory_space<semaphore_mem>>
        %dma_start3A_197 = arith.constant 0 : i32
        %dma_start3A_198 = tpu.memref_slice %arg5[%add3A_189, %dma_start3A_197] : memref<122880x32xf32, #tpu.memory_space<hbm>> -> memref<16x32xf32, #tpu.memory_space<hbm>>
        %dma_start3A_199 = arith.constant 0 : i32
        %dma_start3A_200 = tpu.memref_slice %arg5[%add3A_189, %dma_start3A_199] : memref<122880x32xf32, #tpu.memory_space<hbm>> -> memref<16x32xf32, #tpu.memory_space<hbm>>
        tpu.enqueue_dma source(%arg12 : memref<16x32xf32, #tpu.memory_space<vmem>>) target(%dma_start3A_200 : memref<16x32xf32, #tpu.memory_space<hbm>>) target_semaphore(%run_scoped3A : memref<!tpu.dma_semaphore, #tpu.memory_space<semaphore_mem>>)
        %dma_wait3A_201 = arith.constant 0 : i32
        %dma_wait3A_202 = tpu.memref_slice %arg5[%add3A_189, %dma_wait3A_201] : memref<122880x32xf32, #tpu.memory_space<hbm>> -> memref<16x32xf32, #tpu.memory_space<hbm>>
        %dma_wait3A_203 = arith.constant 0 : i32
        %dma_wait3A_204 = tpu.memref_slice %arg5[%add3A_189, %dma_wait3A_203] : memref<122880x32xf32, #tpu.memory_space<hbm>> -> memref<16x32xf32, #tpu.memory_space<hbm>>
        tpu.wait_dma2 semaphore(%run_scoped3A : memref<!tpu.dma_semaphore, #tpu.memory_space<semaphore_mem>>) src(%arg12 : memref<16x32xf32, #tpu.memory_space<vmem>>) dst(%dma_wait3A_204 : memref<16x32xf32, #tpu.memory_space<hbm>>)
        tpu.yield
      }) : () -> ()
      %add3A_190 = arith.constant 2 : i32
      %add3A_191 = arith.addi %add3A_175, %add3A_190 : i32
      %lt3A_192 = arith.constant 240 : i32
      %lt3A_193 = arith.cmpi slt, %add3A_191, %lt3A_192 : i32
      %convert_element_type3A_194 = arith.extui %lt3A_193 : i1 to i32
      %cond3A_195 = arith.constant 0 : i32
      %cond3A_196 = arith.cmpi ne, %convert_element_type3A_194, %cond3A_195 : i32
      scf.if %cond3A_196 {
        %add3A_197 = arith.constant 2 : i32
        %add3A_198 = arith.addi %add3A_175, %add3A_197 : i32
        %mul3A_199 = arith.constant 16 : i32
        %mul3A_200 = arith.muli %add3A_198, %mul3A_199 : i32
        %add3A_201 = arith.addi %mul3A_2, %mul3A_200 : i32
        %mul3A_202 = arith.constant 64 : i32
        %mul3A_203 = arith.muli %add3A_201, %mul3A_202 : i32
        "tpu.region"() ({
          %run_scoped3A = tpu.sem_alloc : memref<!tpu.dma_semaphore, #tpu.memory_space<semaphore_mem>>
          %dma_start3A_270 = tpu.memref_slice %arg2[%mul3A_203] : memref<7864320xi32, #tpu.memory_space<hbm>> -> memref<1024xi32, #tpu.memory_space<hbm>>
          %dma_start3A_271 = tpu.memref_slice %arg2[%mul3A_203] : memref<7864320xi32, #tpu.memory_space<hbm>> -> memref<1024xi32, #tpu.memory_space<hbm>>
          tpu.enqueue_dma source(%dma_start3A_271 : memref<1024xi32, #tpu.memory_space<hbm>>) target(%arg9 : memref<1024xi32, #tpu.memory_space<vmem>>) target_semaphore(%run_scoped3A : memref<!tpu.dma_semaphore, #tpu.memory_space<semaphore_mem>>)
          %dma_wait3A_272 = tpu.memref_slice %arg2[%mul3A_203] : memref<7864320xi32, #tpu.memory_space<hbm>> -> memref<1024xi32, #tpu.memory_space<hbm>>
          %dma_wait3A_273 = tpu.memref_slice %arg2[%mul3A_203] : memref<7864320xi32, #tpu.memory_space<hbm>> -> memref<1024xi32, #tpu.memory_space<hbm>>
          tpu.wait_dma2 semaphore(%run_scoped3A : memref<!tpu.dma_semaphore, #tpu.memory_space<semaphore_mem>>) src(%dma_wait3A_273 : memref<1024xi32, #tpu.memory_space<hbm>>) dst(%arg9 : memref<1024xi32, #tpu.memory_space<vmem>>)
          tpu.yield
        }) : () -> ()
        %mul3A_204 = arith.constant 64 : i32
        %mul3A_205 = arith.muli %add3A_201, %mul3A_204 : i32
        "tpu.region"() ({
          %run_scoped3A = tpu.sem_alloc : memref<!tpu.dma_semaphore, #tpu.memory_space<semaphore_mem>>
          %dma_start3A_270 = tpu.memref_slice %arg3[%mul3A_205] : memref<7864320xf32, #tpu.memory_space<hbm>> -> memref<1024xf32, #tpu.memory_space<hbm>>
          %dma_start3A_271 = tpu.memref_slice %arg3[%mul3A_205] : memref<7864320xf32, #tpu.memory_space<hbm>> -> memref<1024xf32, #tpu.memory_space<hbm>>
          tpu.enqueue_dma source(%dma_start3A_271 : memref<1024xf32, #tpu.memory_space<hbm>>) target(%arg10 : memref<1024xf32, #tpu.memory_space<vmem>>) target_semaphore(%run_scoped3A : memref<!tpu.dma_semaphore, #tpu.memory_space<semaphore_mem>>)
          %dma_wait3A_272 = tpu.memref_slice %arg3[%mul3A_205] : memref<7864320xf32, #tpu.memory_space<hbm>> -> memref<1024xf32, #tpu.memory_space<hbm>>
          %dma_wait3A_273 = tpu.memref_slice %arg3[%mul3A_205] : memref<7864320xf32, #tpu.memory_space<hbm>> -> memref<1024xf32, #tpu.memory_space<hbm>>
          tpu.wait_dma2 semaphore(%run_scoped3A : memref<!tpu.dma_semaphore, #tpu.memory_space<semaphore_mem>>) src(%dma_wait3A_273 : memref<1024xf32, #tpu.memory_space<hbm>>) dst(%arg10 : memref<1024xf32, #tpu.memory_space<vmem>>)
          tpu.yield
        }) : () -> ()
        %dma_start3A_206 = arith.constant 0 : i32
        %dma_start3A_207 = arith.constant 0 : i32
        %dma_start3A_208 = tpu.memref_slice %arg11[%dma_start3A_206, %dma_start3A_207] : memref<1024x32xf32, #tpu.memory_space<vmem>> -> memref<128x32xf32, #tpu.memory_space<vmem>>
        %dma_start3A_209 = arith.constant 0 : i32
        %dma_start3A_210 = tpu.memref_slice %arg9[%dma_start3A_209] : memref<1024xi32, #tpu.memory_space<vmem>> -> memref<128xi32, #tpu.memory_space<vmem>>
        %dma_start3A_211 = arith.constant 0 : i32
        %dma_start3A_212 = arith.constant 0 : i32
        %dma_start3A_213 = tpu.memref_slice %arg4[%dma_start3A_211, %dma_start3A_212] : memref<460800x32xf32, #tpu.memory_space<hbm>> -> memref<460800x32xf32, #tpu.memory_space<hbm>>
        tpu.enqueue_indirect_dma source(%dma_start3A_213 : memref<460800x32xf32, #tpu.memory_space<hbm>>) target(%dma_start3A_208 : memref<128x32xf32, #tpu.memory_space<vmem>>) offsets(%dma_start3A_210 : memref<128xi32, #tpu.memory_space<vmem>>) semaphore(%arg14 : memref<!tpu.dma_semaphore, #tpu.memory_space<semaphore_mem>>)
        %dma_start3A_214 = arith.constant 128 : i32
        %dma_start3A_215 = arith.constant 0 : i32
        %dma_start3A_216 = tpu.memref_slice %arg11[%dma_start3A_214, %dma_start3A_215] : memref<1024x32xf32, #tpu.memory_space<vmem>> -> memref<128x32xf32, #tpu.memory_space<vmem>>
        %dma_start3A_217 = arith.constant 128 : i32
        %dma_start3A_218 = tpu.memref_slice %arg9[%dma_start3A_217] : memref<1024xi32, #tpu.memory_space<vmem>> -> memref<128xi32, #tpu.memory_space<vmem>>
        %dma_start3A_219 = arith.constant 0 : i32
        %dma_start3A_220 = arith.constant 0 : i32
        %dma_start3A_221 = tpu.memref_slice %arg4[%dma_start3A_219, %dma_start3A_220] : memref<460800x32xf32, #tpu.memory_space<hbm>> -> memref<460800x32xf32, #tpu.memory_space<hbm>>
        tpu.enqueue_indirect_dma source(%dma_start3A_221 : memref<460800x32xf32, #tpu.memory_space<hbm>>) target(%dma_start3A_216 : memref<128x32xf32, #tpu.memory_space<vmem>>) offsets(%dma_start3A_218 : memref<128xi32, #tpu.memory_space<vmem>>) semaphore(%arg14 : memref<!tpu.dma_semaphore, #tpu.memory_space<semaphore_mem>>)
        %dma_start3A_222 = arith.constant 256 : i32
        %dma_start3A_223 = arith.constant 0 : i32
        %dma_start3A_224 = tpu.memref_slice %arg11[%dma_start3A_222, %dma_start3A_223] : memref<1024x32xf32, #tpu.memory_space<vmem>> -> memref<128x32xf32, #tpu.memory_space<vmem>>
        %dma_start3A_225 = arith.constant 256 : i32
        %dma_start3A_226 = tpu.memref_slice %arg9[%dma_start3A_225] : memref<1024xi32, #tpu.memory_space<vmem>> -> memref<128xi32, #tpu.memory_space<vmem>>
        %dma_start3A_227 = arith.constant 0 : i32
        %dma_start3A_228 = arith.constant 0 : i32
        %dma_start3A_229 = tpu.memref_slice %arg4[%dma_start3A_227, %dma_start3A_228] : memref<460800x32xf32, #tpu.memory_space<hbm>> -> memref<460800x32xf32, #tpu.memory_space<hbm>>
        tpu.enqueue_indirect_dma source(%dma_start3A_229 : memref<460800x32xf32, #tpu.memory_space<hbm>>) target(%dma_start3A_224 : memref<128x32xf32, #tpu.memory_space<vmem>>) offsets(%dma_start3A_226 : memref<128xi32, #tpu.memory_space<vmem>>) semaphore(%arg14 : memref<!tpu.dma_semaphore, #tpu.memory_space<semaphore_mem>>)
        %dma_start3A_230 = arith.constant 384 : i32
        %dma_start3A_231 = arith.constant 0 : i32
        %dma_start3A_232 = tpu.memref_slice %arg11[%dma_start3A_230, %dma_start3A_231] : memref<1024x32xf32, #tpu.memory_space<vmem>> -> memref<128x32xf32, #tpu.memory_space<vmem>>
        %dma_start3A_233 = arith.constant 384 : i32
        %dma_start3A_234 = tpu.memref_slice %arg9[%dma_start3A_233] : memref<1024xi32, #tpu.memory_space<vmem>> -> memref<128xi32, #tpu.memory_space<vmem>>
        %dma_start3A_235 = arith.constant 0 : i32
        %dma_start3A_236 = arith.constant 0 : i32
        %dma_start3A_237 = tpu.memref_slice %arg4[%dma_start3A_235, %dma_start3A_236] : memref<460800x32xf32, #tpu.memory_space<hbm>> -> memref<460800x32xf32, #tpu.memory_space<hbm>>
        tpu.enqueue_indirect_dma source(%dma_start3A_237 : memref<460800x32xf32, #tpu.memory_space<hbm>>) target(%dma_start3A_232 : memref<128x32xf32, #tpu.memory_space<vmem>>) offsets(%dma_start3A_234 : memref<128xi32, #tpu.memory_space<vmem>>) semaphore(%arg14 : memref<!tpu.dma_semaphore, #tpu.memory_space<semaphore_mem>>)
        %dma_start3A_238 = arith.constant 512 : i32
        %dma_start3A_239 = arith.constant 0 : i32
        %dma_start3A_240 = tpu.memref_slice %arg11[%dma_start3A_238, %dma_start3A_239] : memref<1024x32xf32, #tpu.memory_space<vmem>> -> memref<128x32xf32, #tpu.memory_space<vmem>>
        %dma_start3A_241 = arith.constant 512 : i32
        %dma_start3A_242 = tpu.memref_slice %arg9[%dma_start3A_241] : memref<1024xi32, #tpu.memory_space<vmem>> -> memref<128xi32, #tpu.memory_space<vmem>>
        %dma_start3A_243 = arith.constant 0 : i32
        %dma_start3A_244 = arith.constant 0 : i32
        %dma_start3A_245 = tpu.memref_slice %arg4[%dma_start3A_243, %dma_start3A_244] : memref<460800x32xf32, #tpu.memory_space<hbm>> -> memref<460800x32xf32, #tpu.memory_space<hbm>>
        tpu.enqueue_indirect_dma source(%dma_start3A_245 : memref<460800x32xf32, #tpu.memory_space<hbm>>) target(%dma_start3A_240 : memref<128x32xf32, #tpu.memory_space<vmem>>) offsets(%dma_start3A_242 : memref<128xi32, #tpu.memory_space<vmem>>) semaphore(%arg14 : memref<!tpu.dma_semaphore, #tpu.memory_space<semaphore_mem>>)
        %dma_start3A_246 = arith.constant 640 : i32
        %dma_start3A_247 = arith.constant 0 : i32
        %dma_start3A_248 = tpu.memref_slice %arg11[%dma_start3A_246, %dma_start3A_247] : memref<1024x32xf32, #tpu.memory_space<vmem>> -> memref<128x32xf32, #tpu.memory_space<vmem>>
        %dma_start3A_249 = arith.constant 640 : i32
        %dma_start3A_250 = tpu.memref_slice %arg9[%dma_start3A_249] : memref<1024xi32, #tpu.memory_space<vmem>> -> memref<128xi32, #tpu.memory_space<vmem>>
        %dma_start3A_251 = arith.constant 0 : i32
        %dma_start3A_252 = arith.constant 0 : i32
        %dma_start3A_253 = tpu.memref_slice %arg4[%dma_start3A_251, %dma_start3A_252] : memref<460800x32xf32, #tpu.memory_space<hbm>> -> memref<460800x32xf32, #tpu.memory_space<hbm>>
        tpu.enqueue_indirect_dma source(%dma_start3A_253 : memref<460800x32xf32, #tpu.memory_space<hbm>>) target(%dma_start3A_248 : memref<128x32xf32, #tpu.memory_space<vmem>>) offsets(%dma_start3A_250 : memref<128xi32, #tpu.memory_space<vmem>>) semaphore(%arg14 : memref<!tpu.dma_semaphore, #tpu.memory_space<semaphore_mem>>)
        %dma_start3A_254 = arith.constant 768 : i32
        %dma_start3A_255 = arith.constant 0 : i32
        %dma_start3A_256 = tpu.memref_slice %arg11[%dma_start3A_254, %dma_start3A_255] : memref<1024x32xf32, #tpu.memory_space<vmem>> -> memref<128x32xf32, #tpu.memory_space<vmem>>
        %dma_start3A_257 = arith.constant 768 : i32
        %dma_start3A_258 = tpu.memref_slice %arg9[%dma_start3A_257] : memref<1024xi32, #tpu.memory_space<vmem>> -> memref<128xi32, #tpu.memory_space<vmem>>
        %dma_start3A_259 = arith.constant 0 : i32
        %dma_start3A_260 = arith.constant 0 : i32
        %dma_start3A_261 = tpu.memref_slice %arg4[%dma_start3A_259, %dma_start3A_260] : memref<460800x32xf32, #tpu.memory_space<hbm>> -> memref<460800x32xf32, #tpu.memory_space<hbm>>
        tpu.enqueue_indirect_dma source(%dma_start3A_261 : memref<460800x32xf32, #tpu.memory_space<hbm>>) target(%dma_start3A_256 : memref<128x32xf32, #tpu.memory_space<vmem>>) offsets(%dma_start3A_258 : memref<128xi32, #tpu.memory_space<vmem>>) semaphore(%arg14 : memref<!tpu.dma_semaphore, #tpu.memory_space<semaphore_mem>>)
        %dma_start3A_262 = arith.constant 896 : i32
        %dma_start3A_263 = arith.constant 0 : i32
        %dma_start3A_264 = tpu.memref_slice %arg11[%dma_start3A_262, %dma_start3A_263] : memref<1024x32xf32, #tpu.memory_space<vmem>> -> memref<128x32xf32, #tpu.memory_space<vmem>>
        %dma_start3A_265 = arith.constant 896 : i32
        %dma_start3A_266 = tpu.memref_slice %arg9[%dma_start3A_265] : memref<1024xi32, #tpu.memory_space<vmem>> -> memref<128xi32, #tpu.memory_space<vmem>>
        %dma_start3A_267 = arith.constant 0 : i32
        %dma_start3A_268 = arith.constant 0 : i32
        %dma_start3A_269 = tpu.memref_slice %arg4[%dma_start3A_267, %dma_start3A_268] : memref<460800x32xf32, #tpu.memory_space<hbm>> -> memref<460800x32xf32, #tpu.memory_space<hbm>>
        tpu.enqueue_indirect_dma source(%dma_start3A_269 : memref<460800x32xf32, #tpu.memory_space<hbm>>) target(%dma_start3A_264 : memref<128x32xf32, #tpu.memory_space<vmem>>) offsets(%dma_start3A_266 : memref<128xi32, #tpu.memory_space<vmem>>) semaphore(%arg14 : memref<!tpu.dma_semaphore, #tpu.memory_space<semaphore_mem>>)
      } else {
      }
    }
    %scan3A_145 = arith.constant 120 : i32
    return
  }
}

module attributes {stable_mosaic.version = 14 : i64} {
  func.func @_b_body(%arg0: i32, %arg1: i32, %arg2: memref<1x256x640xf32, #tpu.memory_space<vmem>>, %arg3: memref<256x256xf32, #tpu.memory_space<vmem>>, %arg4: memref<1x256xf32, #tpu.memory_space<vmem>>, %arg5: memref<1x640x256xf32, #tpu.memory_space<vmem>>) attributes {dimension_semantics = [#tpu.dimension_semantics<arbitrary>, #tpu.dimension_semantics<arbitrary>], iteration_bounds = array<i64: 6, 15>, scalar_prefetch = 0 : i64, scratch_operands = 0 : i64, tpu.core_type = #tpu.core_type<tc>, window_params = [{transform_indices = @transform_0, window_bounds = array<i64: 1, 256, 640>}, {pipeline_mode = #tpu.pipeline_mode<synchronous>, transform_indices = @transform_1, window_bounds = array<i64: 256, 256>}, {pipeline_mode = #tpu.pipeline_mode<synchronous>, transform_indices = @transform_2, window_bounds = array<i64: 1, 256>}, {transform_indices = @transform_3, window_bounds = array<i64: 1, 640, 256>}]} {
    %get3A = arith.constant 0 : index
    %get3A_0 = arith.constant 0 : index
    %get3A_1 = arith.constant 0 : index
    %get3A_2 = vector.load %arg2[%get3A, %get3A_0, %get3A_1] : memref<1x256x640xf32, #tpu.memory_space<vmem>>, vector<1x256x640xf32>
    %get3A_3 = vector.shape_cast %get3A_2 : vector<1x256x640xf32> to vector<256x640xf32>
    %get3A_4 = arith.constant 0 : index
    %get3A_5 = arith.constant 0 : index
    %get3A_6 = vector.load %arg3[%get3A_4, %get3A_5] : memref<256x256xf32, #tpu.memory_space<vmem>>, vector<256x256xf32>
    %dot_general3A = arith.constant dense<0.000000e+00> : vector<640x256xf32>
    %dot_general3A_7 = tpu.matmul %get3A_3, %get3A_6, %dot_general3A {dimension_numbers = #tpu.dot_dimension_numbers<[0], [1], [1], [0], [0, 1, 1, 0], [], []>, transpose_lhs_hint = false} : vector<256x640xf32>, vector<256x256xf32>, vector<640x256xf32> -> vector<640x256xf32>
    %get3A_8 = arith.constant 0 : index
    %get3A_9 = arith.constant 0 : index
    %get3A_10 = vector.load %arg4[%get3A_8, %get3A_9] : memref<1x256xf32, #tpu.memory_space<vmem>>, vector<1x256xf32>
    %add3A = vector.broadcast %get3A_10 : vector<1x256xf32> to vector<640x256xf32>
    %add3A_11 = arith.addf %dot_general3A_7, %add3A : vector<640x256xf32>
    %swap3A = arith.constant 0 : index
    %swap3A_12 = arith.constant 0 : index
    %swap3A_13 = arith.constant 0 : index
    %swap3A_14 = vector.load %arg5[%swap3A, %swap3A_12, %swap3A_13] : memref<1x640x256xf32, #tpu.memory_space<vmem>>, vector<1x640x256xf32>
    %swap3A_15 = vector.shape_cast %swap3A_14 : vector<1x640x256xf32> to vector<640x256xf32>
    %swap3A_16 = vector.shape_cast %add3A_11 : vector<640x256xf32> to vector<1x640x256xf32>
    tpu.vector_store %arg5[%swap3A, %swap3A_12, %swap3A_13], %swap3A_16 {strides = array<i32>} : memref<1x640x256xf32, #tpu.memory_space<vmem>>, vector<1x640x256xf32>,
    return
  }
  func.func @transform_0(%arg0: i32, %arg1: i32) -> (i32, i32, i32) {
    %c0_i32 = arith.constant 0 : i32
    %c0_i32_0 = arith.constant 0 : i32
    return %arg0, %c0_i32, %arg1 : i32, i32, i32
  }
  func.func @transform_1(%arg0: i32, %arg1: i32) -> (i32, i32) {
    %c0_i32 = arith.constant 0 : i32
    %c0_i32_0 = arith.constant 0 : i32
    %c0_i32_1 = arith.constant 0 : i32
    return %c0_i32, %c0_i32_0 : i32, i32
  }
  func.func @transform_2(%arg0: i32, %arg1: i32) -> (i32, i32) {
    %c0_i32 = arith.constant 0 : i32
    %c0_i32_0 = arith.constant 0 : i32
    %c0_i32_1 = arith.constant 0 : i32
    return %c0_i32, %c0_i32_0 : i32, i32
  }
  func.func @transform_3(%arg0: i32, %arg1: i32) -> (i32, i32, i32) {
    %c0_i32 = arith.constant 0 : i32
    %c0_i32_0 = arith.constant 0 : i32
    return %arg0, %arg1, %c0_i32 : i32, i32, i32
  }
}

module attributes {stable_mosaic.version = 14 : i64} {
  func.func @_a1_body(%arg0: i32, %arg1: i32, %arg2: memref<256x256xf32, #tpu.memory_space<vmem>>, %arg3: memref<256x256xf32, #tpu.memory_space<vmem>>, %arg4: memref<1x64x256xf32, #tpu.memory_space<vmem>>, %arg5: memref<1x1x64xf32, #tpu.memory_space<vmem>>, %arg6: memref<1x64x256xf32, #tpu.memory_space<vmem>>, %arg7: memref<1x1x64xf32, #tpu.memory_space<vmem>>, %arg8: memref<1x64x256xf32, #tpu.memory_space<vmem>>, %arg9: memref<1x1x64xf32, #tpu.memory_space<vmem>>, %arg10: memref<1x256x64xf32, #tpu.memory_space<vmem>>, %arg11: memref<1x256x64xf32, #tpu.memory_space<vmem>>, %arg12: memref<1x256x64xf32, #tpu.memory_space<vmem>>) attributes {dimension_semantics = [#tpu.dimension_semantics<arbitrary>, #tpu.dimension_semantics<arbitrary>], iteration_bounds = array<i64: 8, 10>, scalar_prefetch = 0 : i64, scratch_operands = 0 : i64, tpu.core_type = #tpu.core_type<tc>, window_params = [{transform_indices = @transform_0, window_bounds = array<i64: 256, 256>}, {transform_indices = @transform_1, window_bounds = array<i64: 256, 256>}, {transform_indices = @transform_2, window_bounds = array<i64: 1, 64, 256>}, {transform_indices = @transform_3, window_bounds = array<i64: 1, 1, 64>}, {transform_indices = @transform_4, window_bounds = array<i64: 1, 64, 256>}, {transform_indices = @transform_5, window_bounds = array<i64: 1, 1, 64>}, {transform_indices = @transform_6, window_bounds = array<i64: 1, 64, 256>}, {transform_indices = @transform_7, window_bounds = array<i64: 1, 1, 64>}, {transform_indices = @transform_8, window_bounds = array<i64: 1, 256, 64>}, {transform_indices = @transform_9, window_bounds = array<i64: 1, 256, 64>}, {transform_indices = @transform_10, window_bounds = array<i64: 1, 256, 64>}]} {
    %get3A = arith.constant 0 : index
    %get3A_0 = arith.constant 0 : index
    %get3A_1 = vector.load %arg2[%get3A, %get3A_0] : memref<256x256xf32, #tpu.memory_space<vmem>>, vector<256x256xf32>
    %get3A_2 = arith.constant 0 : index
    %get3A_3 = arith.constant 0 : index
    %get3A_4 = vector.load %arg3[%get3A_2, %get3A_3] : memref<256x256xf32, #tpu.memory_space<vmem>>, vector<256x256xf32>
    %add3A = arith.addf %get3A_1, %get3A_4 : vector<256x256xf32>
    %get3A_5 = arith.constant 0 : index
    %get3A_6 = arith.constant 0 : index
    %get3A_7 = arith.constant 0 : index
    %get3A_8 = vector.load %arg4[%get3A_5, %get3A_6, %get3A_7] : memref<1x64x256xf32, #tpu.memory_space<vmem>>, vector<1x64x256xf32>
    %get3A_9 = vector.shape_cast %get3A_8 : vector<1x64x256xf32> to vector<64x256xf32>
    %dot_general3A = arith.constant dense<0.000000e+00> : vector<256x64xf32>
    %dot_general3A_10 = tpu.matmul %add3A, %get3A_9, %dot_general3A {dimension_numbers = #tpu.dot_dimension_numbers<[1], [1], [0], [0], [0, 0, 1, 0], [], []>, transpose_lhs_hint = false} : vector<256x256xf32>, vector<64x256xf32>, vector<256x64xf32> -> vector<256x64xf32>
    %get3A_11 = arith.constant 0 : index
    %get3A_12 = arith.constant 0 : index
    %get3A_13 = arith.constant 0 : index
    %get3A_14 = vector.load %arg5[%get3A_11, %get3A_12, %get3A_13] : memref<1x1x64xf32, #tpu.memory_space<vmem>>, vector<1x1x64xf32>
    %get3A_15 = vector.shape_cast %get3A_14 : vector<1x1x64xf32> to vector<1x64xf32>
    %add3A_16 = vector.broadcast %get3A_15 : vector<1x64xf32> to vector<256x64xf32>
    %add3A_17 = arith.addf %dot_general3A_10, %add3A_16 : vector<256x64xf32>
    %get3A_18 = arith.constant 0 : index
    %get3A_19 = arith.constant 0 : index
    %get3A_20 = arith.constant 0 : index
    %get3A_21 = vector.load %arg6[%get3A_18, %get3A_19, %get3A_20] : memref<1x64x256xf32, #tpu.memory_space<vmem>>, vector<1x64x256xf32>
    %get3A_22 = vector.shape_cast %get3A_21 : vector<1x64x256xf32> to vector<64x256xf32>
    %dot_general3A_23 = arith.constant dense<0.000000e+00> : vector<256x64xf32>
    %dot_general3A_24 = tpu.matmul %add3A, %get3A_22, %dot_general3A_23 {dimension_numbers = #tpu.dot_dimension_numbers<[1], [1], [0], [0], [0, 0, 1, 0], [], []>, transpose_lhs_hint = false} : vector<256x256xf32>, vector<64x256xf32>, vector<256x64xf32> -> vector<256x64xf32>
    %get3A_25 = arith.constant 0 : index
    %get3A_26 = arith.constant 0 : index
    %get3A_27 = arith.constant 0 : index
    %get3A_28 = vector.load %arg7[%get3A_25, %get3A_26, %get3A_27] : memref<1x1x64xf32, #tpu.memory_space<vmem>>, vector<1x1x64xf32>
    %get3A_29 = vector.shape_cast %get3A_28 : vector<1x1x64xf32> to vector<1x64xf32>
    %add3A_30 = vector.broadcast %get3A_29 : vector<1x64xf32> to vector<256x64xf32>
    %add3A_31 = arith.addf %dot_general3A_24, %add3A_30 : vector<256x64xf32>
    %get3A_32 = arith.constant 0 : index
    %get3A_33 = arith.constant 0 : index
    %get3A_34 = arith.constant 0 : index
    %get3A_35 = vector.load %arg8[%get3A_32, %get3A_33, %get3A_34] : memref<1x64x256xf32, #tpu.memory_space<vmem>>, vector<1x64x256xf32>
    %get3A_36 = vector.shape_cast %get3A_35 : vector<1x64x256xf32> to vector<64x256xf32>
    %dot_general3A_37 = arith.constant dense<0.000000e+00> : vector<256x64xf32>
    %dot_general3A_38 = tpu.matmul %add3A, %get3A_36, %dot_general3A_37 {dimension_numbers = #tpu.dot_dimension_numbers<[1], [1], [0], [0], [0, 0, 1, 0], [], []>, transpose_lhs_hint = false} : vector<256x256xf32>, vector<64x256xf32>, vector<256x64xf32> -> vector<256x64xf32>
    %get3A_39 = arith.constant 0 : index
    %get3A_40 = arith.constant 0 : index
    %get3A_41 = arith.constant 0 : index
    %get3A_42 = vector.load %arg9[%get3A_39, %get3A_40, %get3A_41] : memref<1x1x64xf32, #tpu.memory_space<vmem>>, vector<1x1x64xf32>
    %get3A_43 = vector.shape_cast %get3A_42 : vector<1x1x64xf32> to vector<1x64xf32>
    %add3A_44 = vector.broadcast %get3A_43 : vector<1x64xf32> to vector<256x64xf32>
    %add3A_45 = arith.addf %dot_general3A_38, %add3A_44 : vector<256x64xf32>
    %reduce_max3A = arith.constant dense<0xFF800000> : vector<256xf32>
    %reduce_max3A_46 = vector.multi_reduction <maximumf>, %add3A_45, %reduce_max3A [1] : vector<256x64xf32> to vector<256xf32>
    %broadcast_in_dim3A = vector.shape_cast %reduce_max3A_46 : vector<256xf32> to vector<256x1xf32>
    %sub3A = vector.broadcast %broadcast_in_dim3A : vector<256x1xf32> to vector<256x64xf32>
    %sub3A_47 = arith.subf %add3A_45, %sub3A : vector<256x64xf32>
    %exp3A = math.exp %sub3A_47 : vector<256x64xf32>
    %reduce_sum3A = arith.constant dense<0.000000e+00> : vector<256xf32>
    %reduce_sum3A_48 = vector.multi_reduction <add>, %exp3A, %reduce_sum3A [1] : vector<256x64xf32> to vector<256xf32>
    %broadcast_in_dim3A_49 = vector.shape_cast %reduce_sum3A_48 : vector<256xf32> to vector<256x1xf32>
    %swap3A = arith.constant 0 : index
    %swap3A_50 = arith.constant 0 : index
    %swap3A_51 = arith.constant 0 : index
    %swap3A_52 = vector.load %arg10[%swap3A, %swap3A_50, %swap3A_51] : memref<1x256x64xf32, #tpu.memory_space<vmem>>, vector<1x256x64xf32>
    %swap3A_53 = vector.shape_cast %swap3A_52 : vector<1x256x64xf32> to vector<256x64xf32>
    %swap3A_54 = vector.shape_cast %add3A_17 : vector<256x64xf32> to vector<1x256x64xf32>
    tpu.vector_store %arg10[%swap3A, %swap3A_50, %swap3A_51], %swap3A_54 {strides = array<i32>} : memref<1x256x64xf32, #tpu.memory_space<vmem>>, vector<1x256x64xf32>,
    %swap3A_55 = arith.constant 0 : index
    %swap3A_56 = arith.constant 0 : index
    %swap3A_57 = arith.constant 0 : index
    %swap3A_58 = vector.load %arg11[%swap3A_55, %swap3A_56, %swap3A_57] : memref<1x256x64xf32, #tpu.memory_space<vmem>>, vector<1x256x64xf32>
    %swap3A_59 = vector.shape_cast %swap3A_58 : vector<1x256x64xf32> to vector<256x64xf32>
    %swap3A_60 = vector.shape_cast %add3A_31 : vector<256x64xf32> to vector<1x256x64xf32>
    tpu.vector_store %arg11[%swap3A_55, %swap3A_56, %swap3A_57], %swap3A_60 {strides = array<i32>} : memref<1x256x64xf32, #tpu.memory_space<vmem>>, vector<1x256x64xf32>,
    %div3A = arith.constant 4.000000e+00 : f32
    %div3A_61 = vector.broadcast %div3A : f32 to vector<256x1xf32>
    %div3A_62 = arith.divf %div3A_61, %broadcast_in_dim3A_49 : vector<256x1xf32>
    %mul3A = vector.broadcast %div3A_62 : vector<256x1xf32> to vector<256x64xf32>
    %mul3A_63 = arith.mulf %exp3A, %mul3A : vector<256x64xf32>
    %swap3A_64 = arith.constant 0 : index
    %swap3A_65 = arith.constant 0 : index
    %swap3A_66 = arith.constant 0 : index
    %swap3A_67 = vector.load %arg12[%swap3A_64, %swap3A_65, %swap3A_66] : memref<1x256x64xf32, #tpu.memory_space<vmem>>, vector<1x256x64xf32>
    %swap3A_68 = vector.shape_cast %swap3A_67 : vector<1x256x64xf32> to vector<256x64xf32>
    %swap3A_69 = vector.shape_cast %mul3A_63 : vector<256x64xf32> to vector<1x256x64xf32>
    tpu.vector_store %arg12[%swap3A_64, %swap3A_65, %swap3A_66], %swap3A_69 {strides = array<i32>} : memref<1x256x64xf32, #tpu.memory_space<vmem>>, vector<1x256x64xf32>,
    return
  }
  func.func @transform_0(%arg0: i32, %arg1: i32) -> (i32, i32) {
    %c0_i32 = arith.constant 0 : i32
    %c0_i32_0 = arith.constant 0 : i32
    return %arg1, %c0_i32 : i32, i32
  }
  func.func @transform_1(%arg0: i32, %arg1: i32) -> (i32, i32) {
    %c0_i32 = arith.constant 0 : i32
    %c0_i32_0 = arith.constant 0 : i32
    return %arg1, %c0_i32 : i32, i32
  }
  func.func @transform_2(%arg0: i32, %arg1: i32) -> (i32, i32, i32) {
    %c0_i32 = arith.constant 0 : i32
    %c0_i32_0 = arith.constant 0 : i32
    %c0_i32_1 = arith.constant 0 : i32
    return %arg0, %c0_i32, %c0_i32_0 : i32, i32, i32
  }
  func.func @transform_3(%arg0: i32, %arg1: i32) -> (i32, i32, i32) {
    %c0_i32 = arith.constant 0 : i32
    %c0_i32_0 = arith.constant 0 : i32
    %c0_i32_1 = arith.constant 0 : i32
    return %arg0, %c0_i32, %c0_i32_0 : i32, i32, i32
  }
  func.func @transform_4(%arg0: i32, %arg1: i32) -> (i32, i32, i32) {
    %c0_i32 = arith.constant 0 : i32
    %c0_i32_0 = arith.constant 0 : i32
    %c0_i32_1 = arith.constant 0 : i32
    return %arg0, %c0_i32, %c0_i32_0 : i32, i32, i32
  }
  func.func @transform_5(%arg0: i32, %arg1: i32) -> (i32, i32, i32) {
    %c0_i32 = arith.constant 0 : i32
    %c0_i32_0 = arith.constant 0 : i32
    %c0_i32_1 = arith.constant 0 : i32
    return %arg0, %c0_i32, %c0_i32_0 : i32, i32, i32
  }
  func.func @transform_6(%arg0: i32, %arg1: i32) -> (i32, i32, i32) {
    %c0_i32 = arith.constant 0 : i32
    %c0_i32_0 = arith.constant 0 : i32
    %c0_i32_1 = arith.constant 0 : i32
    return %arg0, %c0_i32, %c0_i32_0 : i32, i32, i32
  }
  func.func @transform_7(%arg0: i32, %arg1: i32) -> (i32, i32, i32) {
    %c0_i32 = arith.constant 0 : i32
    %c0_i32_0 = arith.constant 0 : i32
    %c0_i32_1 = arith.constant 0 : i32
    return %arg0, %c0_i32, %c0_i32_0 : i32, i32, i32
  }
  func.func @transform_8(%arg0: i32, %arg1: i32) -> (i32, i32, i32) {
    %c0_i32 = arith.constant 0 : i32
    %c0_i32_0 = arith.constant 0 : i32
    return %arg0, %arg1, %c0_i32 : i32, i32, i32
  }
  func.func @transform_9(%arg0: i32, %arg1: i32) -> (i32, i32, i32) {
    %c0_i32 = arith.constant 0 : i32
    %c0_i32_0 = arith.constant 0 : i32
    return %arg0, %arg1, %c0_i32 : i32, i32, i32
  }
  func.func @transform_10(%arg0: i32, %arg1: i32) -> (i32, i32, i32) {
    %c0_i32 = arith.constant 0 : i32
    %c0_i32_0 = arith.constant 0 : i32
    return %arg0, %arg1, %c0_i32 : i32, i32, i32
  }
}

module attributes {stable_mosaic.version = 14 : i64} {
  func.func @_a2_body(%arg0: i32, %arg1: i32, %arg2: i32, %arg3: memref<1x256x64xf32, #tpu.memory_space<vmem>>, %arg4: memref<1x256x64xf32, #tpu.memory_space<vmem>>, %arg5: memref<1x256x64xf32, #tpu.memory_space<vmem>>, %arg6: memref<256x4xf32, #tpu.memory_space<vmem>>, %arg7: memref<6x4x4xf32, #tpu.memory_space<smem>>, %arg8: memref<2xi32, #tpu.memory_space<smem>>, %arg9: memref<1x64xf32, #tpu.memory_space<vmem>>, %arg10: memref<1x64xf32, #tpu.memory_space<vmem>>, %arg11: memref<1x64xf32, #tpu.memory_space<vmem>>, %arg12: memref<1x64xf32, #tpu.memory_space<vmem>>, %arg13: memref<1x64xf32, #tpu.memory_space<vmem>>, %arg14: memref<1x1x256x64xi32, #tpu.memory_space<vmem>>, %arg15: memref<1x1x256x64xf32, #tpu.memory_space<vmem>>, %arg16: memref<1x256x1xf32, #tpu.memory_space<vmem>>) attributes {dimension_semantics = [#tpu.dimension_semantics<arbitrary>, #tpu.dimension_semantics<arbitrary>, #tpu.dimension_semantics<arbitrary>], iteration_bounds = array<i64: 6, 10, 8>, scalar_prefetch = 0 : i64, scratch_operands = 0 : i64, tpu.core_type = #tpu.core_type<tc>, window_params = [{transform_indices = @transform_0, window_bounds = array<i64: 1, 256, 64>}, {transform_indices = @transform_1, window_bounds = array<i64: 1, 256, 64>}, {transform_indices = @transform_2, window_bounds = array<i64: 1, 256, 64>}, {transform_indices = @transform_3, window_bounds = array<i64: 256, 4>}, {transform_indices = @transform_4, window_bounds = array<i64: 6, 4, 4>}, {transform_indices = @transform_5, window_bounds = array<i64: 2>}, {pipeline_mode = #tpu.pipeline_mode<synchronous>, transform_indices = @transform_6, window_bounds = array<i64: 1, 64>}, {pipeline_mode = #tpu.pipeline_mode<synchronous>, transform_indices = @transform_7, window_bounds = array<i64: 1, 64>}, {pipeline_mode = #tpu.pipeline_mode<synchronous>, transform_indices = @transform_8, window_bounds = array<i64: 1, 64>}, {pipeline_mode = #tpu.pipeline_mode<synchronous>, transform_indices = @transform_9, window_bounds = array<i64: 1, 64>}, {pipeline_mode = #tpu.pipeline_mode<synchronous>, transform_indices = @transform_10, window_bounds = array<i64: 1, 64>}, {transform_indices = @transform_11, window_bounds = array<i64: 1, 1, 256, 64>}, {transform_indices = @transform_12, window_bounds = array<i64: 1, 1, 256, 64>}, {transform_indices = @transform_13, window_bounds = array<i64: 1, 256, 1>}]} {
    %get3A = arith.constant 0 : index
    %get3A_0 = arith.constant 0 : index
    %get3A_1 = vector.load %arg6[%get3A, %get3A_0] : memref<256x4xf32, #tpu.memory_space<vmem>>, vector<256x4xf32>
    %slice3A = vector.extract_strided_slice %get3A_1 {offsets = [0, 0], sizes = [256, 1], strides = [1, 1]} : vector<256x4xf32> to vector<256x1xf32>
    %get3A_2 = arith.index_cast %arg0 : i32 to index
    %get3A_3 = arith.constant 0 : index
    %get3A_4 = arith.constant 0 : index
    %get3A_5 = memref.load %arg7[%get3A_2, %get3A_3, %get3A_4] : memref<6x4x4xf32, #tpu.memory_space<smem>>
    %mul3A = vector.broadcast %get3A_5 : f32 to vector<256x1xf32>
    %mul3A_6 = arith.mulf %slice3A, %mul3A : vector<256x1xf32>
    %slice3A_7 = vector.extract_strided_slice %get3A_1 {offsets = [0, 1], sizes = [256, 1], strides = [1, 1]} : vector<256x4xf32> to vector<256x1xf32>
    %get3A_8 = arith.index_cast %arg0 : i32 to index
    %get3A_9 = arith.constant 0 : index
    %get3A_10 = arith.constant 1 : index
    %get3A_11 = memref.load %arg7[%get3A_8, %get3A_9, %get3A_10] : memref<6x4x4xf32, #tpu.memory_space<smem>>
    %mul3A_12 = vector.broadcast %get3A_11 : f32 to vector<256x1xf32>
    %mul3A_13 = arith.mulf %slice3A_7, %mul3A_12 : vector<256x1xf32>
    %add3A = arith.addf %mul3A_6, %mul3A_13 : vector<256x1xf32>
    %slice3A_14 = vector.extract_strided_slice %get3A_1 {offsets = [0, 2], sizes = [256, 1], strides = [1, 1]} : vector<256x4xf32> to vector<256x1xf32>
    %get3A_15 = arith.index_cast %arg0 : i32 to index
    %get3A_16 = arith.constant 0 : index
    %get3A_17 = arith.constant 2 : index
    %get3A_18 = memref.load %arg7[%get3A_15, %get3A_16, %get3A_17] : memref<6x4x4xf32, #tpu.memory_space<smem>>
    %mul3A_19 = vector.broadcast %get3A_18 : f32 to vector<256x1xf32>
    %mul3A_20 = arith.mulf %slice3A_14, %mul3A_19 : vector<256x1xf32>
    %add3A_21 = arith.addf %add3A, %mul3A_20 : vector<256x1xf32>
    %slice3A_22 = vector.extract_strided_slice %get3A_1 {offsets = [0, 3], sizes = [256, 1], strides = [1, 1]} : vector<256x4xf32> to vector<256x1xf32>
    %get3A_23 = arith.index_cast %arg0 : i32 to index
    %get3A_24 = arith.constant 0 : index
    %get3A_25 = arith.constant 3 : index
    %get3A_26 = memref.load %arg7[%get3A_23, %get3A_24, %get3A_25] : memref<6x4x4xf32, #tpu.memory_space<smem>>
    %mul3A_27 = vector.broadcast %get3A_26 : f32 to vector<256x1xf32>
    %mul3A_28 = arith.mulf %slice3A_22, %mul3A_27 : vector<256x1xf32>
    %add3A_29 = arith.addf %add3A_21, %mul3A_28 : vector<256x1xf32>
    %slice3A_30 = vector.extract_strided_slice %get3A_1 {offsets = [0, 0], sizes = [256, 1], strides = [1, 1]} : vector<256x4xf32> to vector<256x1xf32>
    %get3A_31 = arith.index_cast %arg0 : i32 to index
    %get3A_32 = arith.constant 1 : index
    %get3A_33 = arith.constant 0 : index
    %get3A_34 = memref.load %arg7[%get3A_31, %get3A_32, %get3A_33] : memref<6x4x4xf32, #tpu.memory_space<smem>>
    %mul3A_35 = vector.broadcast %get3A_34 : f32 to vector<256x1xf32>
    %mul3A_36 = arith.mulf %slice3A_30, %mul3A_35 : vector<256x1xf32>
    %slice3A_37 = vector.extract_strided_slice %get3A_1 {offsets = [0, 1], sizes = [256, 1], strides = [1, 1]} : vector<256x4xf32> to vector<256x1xf32>
    %get3A_38 = arith.index_cast %arg0 : i32 to index
    %get3A_39 = arith.constant 1 : index
    %get3A_40 = arith.constant 1 : index
    %get3A_41 = memref.load %arg7[%get3A_38, %get3A_39, %get3A_40] : memref<6x4x4xf32, #tpu.memory_space<smem>>
    %mul3A_42 = vector.broadcast %get3A_41 : f32 to vector<256x1xf32>
    %mul3A_43 = arith.mulf %slice3A_37, %mul3A_42 : vector<256x1xf32>
    %add3A_44 = arith.addf %mul3A_36, %mul3A_43 : vector<256x1xf32>
    %slice3A_45 = vector.extract_strided_slice %get3A_1 {offsets = [0, 2], sizes = [256, 1], strides = [1, 1]} : vector<256x4xf32> to vector<256x1xf32>
    %get3A_46 = arith.index_cast %arg0 : i32 to index
    %get3A_47 = arith.constant 1 : index
    %get3A_48 = arith.constant 2 : index
    %get3A_49 = memref.load %arg7[%get3A_46, %get3A_47, %get3A_48] : memref<6x4x4xf32, #tpu.memory_space<smem>>
    %mul3A_50 = vector.broadcast %get3A_49 : f32 to vector<256x1xf32>
    %mul3A_51 = arith.mulf %slice3A_45, %mul3A_50 : vector<256x1xf32>
    %add3A_52 = arith.addf %add3A_44, %mul3A_51 : vector<256x1xf32>
    %slice3A_53 = vector.extract_strided_slice %get3A_1 {offsets = [0, 3], sizes = [256, 1], strides = [1, 1]} : vector<256x4xf32> to vector<256x1xf32>
    %get3A_54 = arith.index_cast %arg0 : i32 to index
    %get3A_55 = arith.constant 1 : index
    %get3A_56 = arith.constant 3 : index
    %get3A_57 = memref.load %arg7[%get3A_54, %get3A_55, %get3A_56] : memref<6x4x4xf32, #tpu.memory_space<smem>>
    %mul3A_58 = vector.broadcast %get3A_57 : f32 to vector<256x1xf32>
    %mul3A_59 = arith.mulf %slice3A_53, %mul3A_58 : vector<256x1xf32>
    %add3A_60 = arith.addf %add3A_52, %mul3A_59 : vector<256x1xf32>
    %slice3A_61 = vector.extract_strided_slice %get3A_1 {offsets = [0, 0], sizes = [256, 1], strides = [1, 1]} : vector<256x4xf32> to vector<256x1xf32>
    %get3A_62 = arith.index_cast %arg0 : i32 to index
    %get3A_63 = arith.constant 2 : index
    %get3A_64 = arith.constant 0 : index
    %get3A_65 = memref.load %arg7[%get3A_62, %get3A_63, %get3A_64] : memref<6x4x4xf32, #tpu.memory_space<smem>>
    %mul3A_66 = vector.broadcast %get3A_65 : f32 to vector<256x1xf32>
    %mul3A_67 = arith.mulf %slice3A_61, %mul3A_66 : vector<256x1xf32>
    %slice3A_68 = vector.extract_strided_slice %get3A_1 {offsets = [0, 1], sizes = [256, 1], strides = [1, 1]} : vector<256x4xf32> to vector<256x1xf32>
    %get3A_69 = arith.index_cast %arg0 : i32 to index
    %get3A_70 = arith.constant 2 : index
    %get3A_71 = arith.constant 1 : index
    %get3A_72 = memref.load %arg7[%get3A_69, %get3A_70, %get3A_71] : memref<6x4x4xf32, #tpu.memory_space<smem>>
    %mul3A_73 = vector.broadcast %get3A_72 : f32 to vector<256x1xf32>
    %mul3A_74 = arith.mulf %slice3A_68, %mul3A_73 : vector<256x1xf32>
    %add3A_75 = arith.addf %mul3A_67, %mul3A_74 : vector<256x1xf32>
    %slice3A_76 = vector.extract_strided_slice %get3A_1 {offsets = [0, 2], sizes = [256, 1], strides = [1, 1]} : vector<256x4xf32> to vector<256x1xf32>
    %get3A_77 = arith.index_cast %arg0 : i32 to index
    %get3A_78 = arith.constant 2 : index
    %get3A_79 = arith.constant 2 : index
    %get3A_80 = memref.load %arg7[%get3A_77, %get3A_78, %get3A_79] : memref<6x4x4xf32, #tpu.memory_space<smem>>
    %mul3A_81 = vector.broadcast %get3A_80 : f32 to vector<256x1xf32>
    %mul3A_82 = arith.mulf %slice3A_76, %mul3A_81 : vector<256x1xf32>
    %add3A_83 = arith.addf %add3A_75, %mul3A_82 : vector<256x1xf32>
    %slice3A_84 = vector.extract_strided_slice %get3A_1 {offsets = [0, 3], sizes = [256, 1], strides = [1, 1]} : vector<256x4xf32> to vector<256x1xf32>
    %get3A_85 = arith.index_cast %arg0 : i32 to index
    %get3A_86 = arith.constant 2 : index
    %get3A_87 = arith.constant 3 : index
    %get3A_88 = memref.load %arg7[%get3A_85, %get3A_86, %get3A_87] : memref<6x4x4xf32, #tpu.memory_space<smem>>
    %mul3A_89 = vector.broadcast %get3A_88 : f32 to vector<256x1xf32>
    %mul3A_90 = arith.mulf %slice3A_84, %mul3A_89 : vector<256x1xf32>
    %add3A_91 = arith.addf %add3A_83, %mul3A_90 : vector<256x1xf32>
    %add3A_92 = arith.constant 9.99999974E-6 : f32
    %add3A_93 = vector.broadcast %add3A_92 : f32 to vector<256x1xf32>
    %add3A_94 = arith.addf %add3A_91, %add3A_93 : vector<256x1xf32>
    %get3A_95 = arith.constant 0 : index
    %get3A_96 = memref.load %arg8[%get3A_95] : memref<2xi32, #tpu.memory_space<smem>>
    %convert_element_type3A = arith.sitofp %get3A_96 : i32 to f32
    %get3A_97 = arith.constant 1 : index
    %get3A_98 = memref.load %arg8[%get3A_97] : memref<2xi32, #tpu.memory_space<smem>>
    %convert_element_type3A_99 = arith.sitofp %get3A_98 : i32 to f32
    %div3A = arith.divf %add3A_29, %add3A_94 : vector<256x1xf32>
    %div3A_100 = vector.broadcast %convert_element_type3A_99 : f32 to vector<256x1xf32>
    %div3A_101 = arith.divf %div3A, %div3A_100 : vector<256x1xf32>
    %div3A_102 = arith.divf %add3A_60, %add3A_94 : vector<256x1xf32>
    %div3A_103 = vector.broadcast %convert_element_type3A : f32 to vector<256x1xf32>
    %div3A_104 = arith.divf %div3A_102, %div3A_103 : vector<256x1xf32>
    %gt3A = arith.constant 9.99999974E-6 : f32
    %gt3A_105 = vector.broadcast %gt3A : f32 to vector<256x1xf32>
    %gt3A_106 = arith.cmpf ogt, %add3A_91, %gt3A_105 : vector<256x1xf32>
    %gt3A_107 = arith.constant 0.000000e+00 : f32
    %gt3A_108 = vector.broadcast %gt3A_107 : f32 to vector<256x1xf32>
    %gt3A_109 = arith.cmpf ogt, %div3A_101, %gt3A_108 : vector<256x1xf32>
    %and3A = arith.andi %gt3A_106, %gt3A_109 : vector<256x1xi1>
    %lt3A = arith.constant 1.000000e+00 : f32
    %lt3A_110 = vector.broadcast %lt3A : f32 to vector<256x1xf32>
    %lt3A_111 = arith.cmpf olt, %div3A_101, %lt3A_110 : vector<256x1xf32>
    %and3A_112 = arith.andi %and3A, %lt3A_111 : vector<256x1xi1>
    %gt3A_113 = arith.constant 0.000000e+00 : f32
    %gt3A_114 = vector.broadcast %gt3A_113 : f32 to vector<256x1xf32>
    %gt3A_115 = arith.cmpf ogt, %div3A_104, %gt3A_114 : vector<256x1xf32>
    %and3A_116 = arith.andi %and3A_112, %gt3A_115 : vector<256x1xi1>
    %lt3A_117 = arith.constant 1.000000e+00 : f32
    %lt3A_118 = vector.broadcast %lt3A_117 : f32 to vector<256x1xf32>
    %lt3A_119 = arith.cmpf olt, %div3A_104, %lt3A_118 : vector<256x1xf32>
    %and3A_120 = arith.andi %and3A_116, %lt3A_119 : vector<256x1xi1>
    %convert_element_type3A_121 = arith.extui %and3A_120 : vector<256x1xi1> to vector<256x1xi32>
    %convert_element_type3A_122 = arith.sitofp %convert_element_type3A_121 : vector<256x1xi32> to vector<256x1xf32>
    %get3A_123 = arith.constant 0 : index
    %get3A_124 = arith.constant 0 : index
    %get3A_125 = vector.load %arg9[%get3A_123, %get3A_124] : memref<1x64xf32, #tpu.memory_space<vmem>>, vector<1x64xf32>
    %get3A_126 = arith.constant 0 : index
    %get3A_127 = arith.constant 0 : index
    %get3A_128 = vector.load %arg10[%get3A_126, %get3A_127] : memref<1x64xf32, #tpu.memory_space<vmem>>, vector<1x64xf32>
    %get3A_129 = arith.constant 0 : index
    %get3A_130 = arith.constant 0 : index
    %get3A_131 = vector.load %arg11[%get3A_129, %get3A_130] : memref<1x64xf32, #tpu.memory_space<vmem>>, vector<1x64xf32>
    %get3A_132 = arith.constant 0 : index
    %get3A_133 = arith.constant 0 : index
    %get3A_134 = vector.load %arg12[%get3A_132, %get3A_133] : memref<1x64xf32, #tpu.memory_space<vmem>>, vector<1x64xf32>
    %get3A_135 = arith.constant 0 : index
    %get3A_136 = arith.constant 0 : index
    %get3A_137 = vector.load %arg13[%get3A_135, %get3A_136] : memref<1x64xf32, #tpu.memory_space<vmem>>, vector<1x64xf32>
    %mul3A_138 = vector.broadcast %div3A_101 : vector<256x1xf32> to vector<256x64xf32>
    %mul3A_139 = vector.broadcast %get3A_125 : vector<1x64xf32> to vector<256x64xf32>
    %mul3A_140 = arith.mulf %mul3A_138, %mul3A_139 : vector<256x64xf32>
    %get3A_141 = arith.constant 0 : index
    %get3A_142 = arith.constant 0 : index
    %get3A_143 = arith.constant 0 : index
    %get3A_144 = vector.load %arg3[%get3A_141, %get3A_142, %get3A_143] : memref<1x256x64xf32, #tpu.memory_space<vmem>>, vector<1x256x64xf32>
    %get3A_145 = vector.shape_cast %get3A_144 : vector<1x256x64xf32> to vector<256x64xf32>
    %add3A_146 = arith.addf %mul3A_140, %get3A_145 : vector<256x64xf32>
    %sub3A = arith.constant 5.000000e-01 : f32
    %sub3A_147 = vector.broadcast %sub3A : f32 to vector<256x64xf32>
    %sub3A_148 = arith.subf %add3A_146, %sub3A_147 : vector<256x64xf32>
    %mul3A_149 = vector.broadcast %div3A_104 : vector<256x1xf32> to vector<256x64xf32>
    %mul3A_150 = vector.broadcast %get3A_128 : vector<1x64xf32> to vector<256x64xf32>
    %mul3A_151 = arith.mulf %mul3A_149, %mul3A_150 : vector<256x64xf32>
    %get3A_152 = arith.constant 0 : index
    %get3A_153 = arith.constant 0 : index
    %get3A_154 = arith.constant 0 : index
    %get3A_155 = vector.load %arg4[%get3A_152, %get3A_153, %get3A_154] : memref<1x256x64xf32, #tpu.memory_space<vmem>>, vector<1x256x64xf32>
    %get3A_156 = vector.shape_cast %get3A_155 : vector<1x256x64xf32> to vector<256x64xf32>
    %add3A_157 = arith.addf %mul3A_151, %get3A_156 : vector<256x64xf32>
    %sub3A_158 = arith.constant 5.000000e-01 : f32
    %sub3A_159 = vector.broadcast %sub3A_158 : f32 to vector<256x64xf32>
    %sub3A_160 = arith.subf %add3A_157, %sub3A_159 : vector<256x64xf32>
    %floor3A = math.floor %sub3A_148 : vector<256x64xf32>
    %floor3A_161 = math.floor %sub3A_160 : vector<256x64xf32>
    %sub3A_162 = arith.subf %sub3A_148, %floor3A : vector<256x64xf32>
    %sub3A_163 = arith.subf %sub3A_160, %floor3A_161 : vector<256x64xf32>
    %add3A_164 = vector.broadcast %get3A_131 : vector<1x64xf32> to vector<256x64xf32>
    %add3A_165 = arith.addf %floor3A, %add3A_164 : vector<256x64xf32>
    %add3A_166 = vector.broadcast %get3A_134 : vector<1x64xf32> to vector<256x64xf32>
    %add3A_167 = arith.addf %floor3A_161, %add3A_166 : vector<256x64xf32>
    %gt3A_168 = arith.constant 5.000000e-01 : f32
    %gt3A_169 = vector.broadcast %gt3A_168 : f32 to vector<1x64xf32>
    %gt3A_170 = arith.cmpf ogt, %get3A_131, %gt3A_169 : vector<1x64xf32>
    %sub3A_171 = arith.constant 1.000000e+00 : f32
    %sub3A_172 = vector.broadcast %sub3A_171 : f32 to vector<256x64xf32>
    %sub3A_173 = arith.subf %sub3A_172, %sub3A_162 : vector<256x64xf32>
    %broadcast_in_dim3A = vector.shape_cast %gt3A_170 : vector<1x64xi1> to vector<1x64xi1>
    %broadcast_in_dim3A_174 = vector.broadcast %broadcast_in_dim3A : vector<1x64xi1> to vector<256x64xi1>
    %select_n3A = arith.select %broadcast_in_dim3A_174, %sub3A_162, %sub3A_173 : vector<256x64xi1>, vector<256x64xf32>
    %gt3A_175 = arith.constant 5.000000e-01 : f32
    %gt3A_176 = vector.broadcast %gt3A_175 : f32 to vector<1x64xf32>
    %gt3A_177 = arith.cmpf ogt, %get3A_134, %gt3A_176 : vector<1x64xf32>
    %sub3A_178 = arith.constant 1.000000e+00 : f32
    %sub3A_179 = vector.broadcast %sub3A_178 : f32 to vector<256x64xf32>
    %sub3A_180 = arith.subf %sub3A_179, %sub3A_163 : vector<256x64xf32>
    %broadcast_in_dim3A_181 = vector.shape_cast %gt3A_177 : vector<1x64xi1> to vector<1x64xi1>
    %broadcast_in_dim3A_182 = vector.broadcast %broadcast_in_dim3A_181 : vector<1x64xi1> to vector<256x64xi1>
    %select_n3A_183 = arith.select %broadcast_in_dim3A_182, %sub3A_163, %sub3A_180 : vector<256x64xi1>, vector<256x64xf32>
    %ge3A = arith.constant 0.000000e+00 : f32
    %ge3A_184 = vector.broadcast %ge3A : f32 to vector<256x64xf32>
    %ge3A_185 = arith.cmpf oge, %add3A_165, %ge3A_184 : vector<256x64xf32>
    %sub3A_186 = arith.constant 1.000000e+00 : f32
    %sub3A_187 = vector.broadcast %sub3A_186 : f32 to vector<1x64xf32>
    %sub3A_188 = arith.subf %get3A_125, %sub3A_187 : vector<1x64xf32>
    %le3A = vector.broadcast %sub3A_188 : vector<1x64xf32> to vector<256x64xf32>
    %le3A_189 = arith.cmpf ole, %add3A_165, %le3A : vector<256x64xf32>
    %and3A_190 = arith.andi %ge3A_185, %le3A_189 : vector<256x64xi1>
    %ge3A_191 = arith.constant 0.000000e+00 : f32
    %ge3A_192 = vector.broadcast %ge3A_191 : f32 to vector<256x64xf32>
    %ge3A_193 = arith.cmpf oge, %add3A_167, %ge3A_192 : vector<256x64xf32>
    %and3A_194 = arith.andi %and3A_190, %ge3A_193 : vector<256x64xi1>
    %sub3A_195 = arith.constant 1.000000e+00 : f32
    %sub3A_196 = vector.broadcast %sub3A_195 : f32 to vector<1x64xf32>
    %sub3A_197 = arith.subf %get3A_128, %sub3A_196 : vector<1x64xf32>
    %le3A_198 = vector.broadcast %sub3A_197 : vector<1x64xf32> to vector<256x64xf32>
    %le3A_199 = arith.cmpf ole, %add3A_167, %le3A_198 : vector<256x64xf32>
    %and3A_200 = arith.andi %and3A_194, %le3A_199 : vector<256x64xi1>
    %convert_element_type3A_201 = arith.extui %and3A_200 : vector<256x64xi1> to vector<256x64xi32>
    %convert_element_type3A_202 = arith.sitofp %convert_element_type3A_201 : vector<256x64xi32> to vector<256x64xf32>
    %get3A_203 = arith.constant 0 : index
    %get3A_204 = arith.constant 0 : index
    %get3A_205 = arith.constant 0 : index
    %get3A_206 = vector.load %arg5[%get3A_203, %get3A_204, %get3A_205] : memref<1x256x64xf32, #tpu.memory_space<vmem>>, vector<1x256x64xf32>
    %get3A_207 = vector.shape_cast %get3A_206 : vector<1x256x64xf32> to vector<256x64xf32>
    %mul3A_208 = arith.mulf %get3A_207, %select_n3A : vector<256x64xf32>
    %mul3A_209 = arith.mulf %mul3A_208, %select_n3A_183 : vector<256x64xf32>
    %mul3A_210 = arith.mulf %mul3A_209, %convert_element_type3A_202 : vector<256x64xf32>
    %mul3A_211 = vector.broadcast %convert_element_type3A_122 : vector<256x1xf32> to vector<256x64xf32>
    %mul3A_212 = arith.mulf %mul3A_210, %mul3A_211 : vector<256x64xf32>
    %sub3A_213 = arith.constant 1.000000e+00 : f32
    %sub3A_214 = vector.broadcast %sub3A_213 : f32 to vector<1x64xf32>
    %sub3A_215 = arith.subf %get3A_125, %sub3A_214 : vector<1x64xf32>
    %jit3A = arith.constant 0.000000e+00 : f32
    %max3A = vector.broadcast %jit3A : f32 to vector<256x64xf32>
    %max3A_216 = arith.maximumf %max3A, %add3A_165 : vector<256x64xf32>
    %min3A = vector.broadcast %sub3A_215 : vector<1x64xf32> to vector<256x64xf32>
    %min3A_217 = arith.minimumf %min3A, %max3A_216 : vector<256x64xf32>
    %sub3A_218 = arith.constant 1.000000e+00 : f32
    %sub3A_219 = vector.broadcast %sub3A_218 : f32 to vector<1x64xf32>
    %sub3A_220 = arith.subf %get3A_128, %sub3A_219 : vector<1x64xf32>
    %jit3A_221 = arith.constant 0.000000e+00 : f32
    %max3A_222 = vector.broadcast %jit3A_221 : f32 to vector<256x64xf32>
    %max3A_223 = arith.maximumf %max3A_222, %add3A_167 : vector<256x64xf32>
    %min3A_224 = vector.broadcast %sub3A_220 : vector<1x64xf32> to vector<256x64xf32>
    %min3A_225 = arith.minimumf %min3A_224, %max3A_223 : vector<256x64xf32>
    %mul3A_226 = vector.broadcast %get3A_125 : vector<1x64xf32> to vector<256x64xf32>
    %mul3A_227 = arith.mulf %min3A_225, %mul3A_226 : vector<256x64xf32>
    %add3A_228 = vector.broadcast %get3A_137 : vector<1x64xf32> to vector<256x64xf32>
    %add3A_229 = arith.addf %add3A_228, %mul3A_227 : vector<256x64xf32>
    %add3A_230 = arith.addf %add3A_229, %min3A_217 : vector<256x64xf32>
    %convert_element_type3A_231 = arith.fptosi %add3A_230 : vector<256x64xf32> to vector<256x64xi32>
    %mul3A_232 = arith.constant 8 : i32
    %mul3A_233 = vector.broadcast %mul3A_232 : i32 to vector<256x64xi32>
    %mul3A_234 = arith.muli %convert_element_type3A_231, %mul3A_233 : vector<256x64xi32>
    %mul3A_235 = arith.constant 9600 : i32
    %mul3A_236 = arith.muli %arg0, %mul3A_235 : i32
    %mul3A_237 = arith.constant 8 : i32
    %mul3A_238 = arith.muli %mul3A_236, %mul3A_237 : i32
    %add3A_239 = arith.addi %mul3A_238, %arg2 : i32
    %add3A_240 = vector.broadcast %add3A_239 : i32 to vector<256x64xi32>
    %add3A_241 = arith.addi %mul3A_234, %add3A_240 : vector<256x64xi32>
    %swap3A = arith.constant 0 : index
    %swap3A_242 = arith.constant 0 : index
    %swap3A_243 = arith.constant 0 : index
    %swap3A_244 = arith.constant 0 : index
    %swap3A_245 = vector.load %arg14[%swap3A, %swap3A_242, %swap3A_243, %swap3A_244] : memref<1x1x256x64xi32, #tpu.memory_space<vmem>>, vector<1x1x256x64xi32>
    %swap3A_246 = vector.shape_cast %swap3A_245 : vector<1x1x256x64xi32> to vector<256x64xi32>
    %swap3A_247 = vector.shape_cast %add3A_241 : vector<256x64xi32> to vector<1x1x256x64xi32>
    tpu.vector_store %arg14[%swap3A, %swap3A_242, %swap3A_243, %swap3A_244], %swap3A_247 {strides = array<i32>} : memref<1x1x256x64xi32, #tpu.memory_space<vmem>>, vector<1x1x256x64xi32>,
    %swap3A_248 = arith.constant 0 : index
    %swap3A_249 = arith.constant 0 : index
    %swap3A_250 = arith.constant 0 : index
    %swap3A_251 = arith.constant 0 : index
    %swap3A_252 = vector.load %arg15[%swap3A_248, %swap3A_249, %swap3A_250, %swap3A_251] : memref<1x1x256x64xf32, #tpu.memory_space<vmem>>, vector<1x1x256x64xf32>
    %swap3A_253 = vector.shape_cast %swap3A_252 : vector<1x1x256x64xf32> to vector<256x64xf32>
    %swap3A_254 = vector.shape_cast %mul3A_212 : vector<256x64xf32> to vector<1x1x256x64xf32>
    tpu.vector_store %arg15[%swap3A_248, %swap3A_249, %swap3A_250, %swap3A_251], %swap3A_254 {strides = array<i32>} : memref<1x1x256x64xf32, #tpu.memory_space<vmem>>, vector<1x1x256x64xf32>,
    %swap3A_255 = arith.constant 0 : index
    %swap3A_256 = arith.constant 0 : index
    %swap3A_257 = arith.constant 0 : index
    %swap3A_258 = vector.load %arg16[%swap3A_255, %swap3A_256, %swap3A_257] : memref<1x256x1xf32, #tpu.memory_space<vmem>>, vector<1x256x1xf32>
    %swap3A_259 = vector.shape_cast %swap3A_258 : vector<1x256x1xf32> to vector<256x1xf32>
    %swap3A_260 = vector.shape_cast %convert_element_type3A_122 : vector<256x1xf32> to vector<1x256x1xf32>
    tpu.vector_store %arg16[%swap3A_255, %swap3A_256, %swap3A_257], %swap3A_260 {strides = array<i32>} : memref<1x256x1xf32, #tpu.memory_space<vmem>>, vector<1x256x1xf32>,
    return
  }
  func.func @transform_0(%arg0: i32, %arg1: i32, %arg2: i32) -> (i32, i32, i32) {
    %c0_i32 = arith.constant 0 : i32
    %c0_i32_0 = arith.constant 0 : i32
    return %arg2, %arg1, %c0_i32 : i32, i32, i32
  }
  func.func @transform_1(%arg0: i32, %arg1: i32, %arg2: i32) -> (i32, i32, i32) {
    %c0_i32 = arith.constant 0 : i32
    %c0_i32_0 = arith.constant 0 : i32
    return %arg2, %arg1, %c0_i32 : i32, i32, i32
  }
  func.func @transform_2(%arg0: i32, %arg1: i32, %arg2: i32) -> (i32, i32, i32) {
    %c0_i32 = arith.constant 0 : i32
    %c0_i32_0 = arith.constant 0 : i32
    return %arg2, %arg1, %c0_i32 : i32, i32, i32
  }
  func.func @transform_3(%arg0: i32, %arg1: i32, %arg2: i32) -> (i32, i32) {
    %c0_i32 = arith.constant 0 : i32
    %c0_i32_0 = arith.constant 0 : i32
    return %arg1, %c0_i32 : i32, i32
  }
  func.func @transform_4(%arg0: i32, %arg1: i32, %arg2: i32) -> (i32, i32, i32) {
    %c0_i32 = arith.constant 0 : i32
    %c0_i32_0 = arith.constant 0 : i32
    %c0_i32_1 = arith.constant 0 : i32
    %c0_i32_2 = arith.constant 0 : i32
    return %c0_i32, %c0_i32_0, %c0_i32_1 : i32, i32, i32
  }
  func.func @transform_5(%arg0: i32, %arg1: i32, %arg2: i32) -> i32 {
    %c0_i32 = arith.constant 0 : i32
    %c0_i32_0 = arith.constant 0 : i32
    return %c0_i32 : i32
  }
  func.func @transform_6(%arg0: i32, %arg1: i32, %arg2: i32) -> (i32, i32) {
    %c0_i32 = arith.constant 0 : i32
    %c0_i32_0 = arith.constant 0 : i32
    %c0_i32_1 = arith.constant 0 : i32
    return %c0_i32, %c0_i32_0 : i32, i32
  }
  func.func @transform_7(%arg0: i32, %arg1: i32, %arg2: i32) -> (i32, i32) {
    %c0_i32 = arith.constant 0 : i32
    %c0_i32_0 = arith.constant 0 : i32
    %c0_i32_1 = arith.constant 0 : i32
    return %c0_i32, %c0_i32_0 : i32, i32
  }
  func.func @transform_8(%arg0: i32, %arg1: i32, %arg2: i32) -> (i32, i32) {
    %c0_i32 = arith.constant 0 : i32
    %c0_i32_0 = arith.constant 0 : i32
    %c0_i32_1 = arith.constant 0 : i32
    return %c0_i32, %c0_i32_0 : i32, i32
  }
  func.func @transform_9(%arg0: i32, %arg1: i32, %arg2: i32) -> (i32, i32) {
    %c0_i32 = arith.constant 0 : i32
    %c0_i32_0 = arith.constant 0 : i32
    %c0_i32_1 = arith.constant 0 : i32
    return %c0_i32, %c0_i32_0 : i32, i32
  }
  func.func @transform_10(%arg0: i32, %arg1: i32, %arg2: i32) -> (i32, i32) {
    %c0_i32 = arith.constant 0 : i32
    %c0_i32_0 = arith.constant 0 : i32
    %c0_i32_1 = arith.constant 0 : i32
    return %c0_i32, %c0_i32_0 : i32, i32
  }
  func.func @transform_11(%arg0: i32, %arg1: i32, %arg2: i32) -> (i32, i32, i32, i32) {
    %c0_i32 = arith.constant 0 : i32
    %c0_i32_0 = arith.constant 0 : i32
    return %arg0, %arg2, %arg1, %c0_i32 : i32, i32, i32, i32
  }
  func.func @transform_12(%arg0: i32, %arg1: i32, %arg2: i32) -> (i32, i32, i32, i32) {
    %c0_i32 = arith.constant 0 : i32
    %c0_i32_0 = arith.constant 0 : i32
    return %arg0, %arg2, %arg1, %c0_i32 : i32, i32, i32, i32
  }
  func.func @transform_13(%arg0: i32, %arg1: i32, %arg2: i32) -> (i32, i32, i32) {
    %c0_i32 = arith.constant 0 : i32
    %c0_i32_0 = arith.constant 0 : i32
    return %arg0, %arg1, %c0_i32 : i32, i32, i32
  }
}

module attributes {stable_mosaic.version = 14 : i64} {
  func.func @_d_body(%arg0: i32, %arg1: i32, %arg2: memref<6x1x256x32xf32, #tpu.memory_space<vmem>>, %arg3: memref<6x256x1xf32, #tpu.memory_space<vmem>>, %arg4: memref<32x256xf32, #tpu.memory_space<vmem>>, %arg5: memref<1x256xf32, #tpu.memory_space<vmem>>, %arg6: memref<256x256xf32, #tpu.memory_space<vmem>>) attributes {dimension_semantics = [#tpu.dimension_semantics<arbitrary>, #tpu.dimension_semantics<arbitrary>], iteration_bounds = array<i64: 10, 8>, scalar_prefetch = 0 : i64, scratch_operands = 0 : i64, tpu.core_type = #tpu.core_type<tc>, window_params = [{transform_indices = @transform_0, window_bounds = array<i64: 6, 1, 256, 32>}, {transform_indices = @transform_1, window_bounds = array<i64: 6, 256, 1>}, {transform_indices = @transform_2, window_bounds = array<i64: 32, 256>}, {pipeline_mode = #tpu.pipeline_mode<synchronous>, transform_indices = @transform_3, window_bounds = array<i64: 1, 256>}, {transform_indices = @transform_4, window_bounds = array<i64: 256, 256>}]} {
    %get3A = arith.constant 0 : index
    %get3A_0 = arith.constant 0 : index
    %get3A_1 = arith.constant 0 : index
    %get3A_2 = arith.constant 0 : index
    %get3A_3 = vector.load %arg2[%get3A, %get3A_0, %get3A_1, %get3A_2] : memref<6x1x256x32xf32, #tpu.memory_space<vmem>>, vector<6x1x256x32xf32>
    %reduce_sum3A = arith.constant dense<0.000000e+00> : vector<1x256x32xf32>
    %reduce_sum3A_4 = vector.multi_reduction <add>, %get3A_3, %reduce_sum3A [0] : vector<6x1x256x32xf32> to vector<1x256x32xf32>
    %squeeze3A = vector.shape_cast %reduce_sum3A_4 : vector<1x256x32xf32> to vector<256x32xf32>
    %get3A_5 = arith.constant 0 : index
    %get3A_6 = arith.constant 0 : index
    %get3A_7 = arith.constant 0 : index
    %get3A_8 = vector.load %arg3[%get3A_5, %get3A_6, %get3A_7] : memref<6x256x1xf32, #tpu.memory_space<vmem>>, vector<6x256x1xf32>
    %reduce_sum3A_9 = arith.constant dense<0.000000e+00> : vector<256x1xf32>
    %reduce_sum3A_10 = vector.multi_reduction <add>, %get3A_8, %reduce_sum3A_9 [0] : vector<6x256x1xf32> to vector<256x1xf32>
    %max3A = arith.constant 1.000000e+00 : f32
    %max3A_11 = vector.broadcast %max3A : f32 to vector<256x1xf32>
    %max3A_12 = arith.maximumf %reduce_sum3A_10, %max3A_11 : vector<256x1xf32>
    %div3A = arith.constant 1.000000e+00 : f32
    %div3A_13 = vector.broadcast %div3A : f32 to vector<256x1xf32>
    %div3A_14 = arith.divf %div3A_13, %max3A_12 : vector<256x1xf32>
    %gt3A = arith.constant 0.000000e+00 : f32
    %gt3A_15 = vector.broadcast %gt3A : f32 to vector<256x1xf32>
    %gt3A_16 = arith.cmpf ogt, %reduce_sum3A_10, %gt3A_15 : vector<256x1xf32>
    %convert_element_type3A = arith.extui %gt3A_16 : vector<256x1xi1> to vector<256x1xi32>
    %convert_element_type3A_17 = arith.sitofp %convert_element_type3A : vector<256x1xi32> to vector<256x1xf32>
    %mul3A = vector.broadcast %div3A_14 : vector<256x1xf32> to vector<256x32xf32>
    %mul3A_18 = arith.mulf %squeeze3A, %mul3A : vector<256x32xf32>
    %get3A_19 = arith.constant 0 : index
    %get3A_20 = arith.constant 0 : index
    %get3A_21 = vector.load %arg4[%get3A_19, %get3A_20] : memref<32x256xf32, #tpu.memory_space<vmem>>, vector<32x256xf32>
    %dot_general3A = arith.constant dense<0.000000e+00> : vector<256x256xf32>
    %dot_general3A_22 = tpu.matmul %mul3A_18, %get3A_21, %dot_general3A {dimension_numbers = #tpu.dot_dimension_numbers<[1], [0], [0], [1], [0, 0, 1, 1], [], []>, transpose_lhs_hint = false} : vector<256x32xf32>, vector<32x256xf32>, vector<256x256xf32> -> vector<256x256xf32>
    %eq3A = arith.constant 0 : i32
    %eq3A_23 = arith.cmpi eq, %arg1, %eq3A : i32
    %convert_element_type3A_24 = arith.extui %eq3A_23 : i1 to i32
    %cond3A = arith.constant 0 : i32
    %cond3A_25 = arith.cmpi ne, %convert_element_type3A_24, %cond3A : i32
    scf.if %cond3A_25 {
      %get3A_30 = arith.constant 0 : index
      %get3A_31 = arith.constant 0 : index
      %get3A_32 = vector.load %arg5[%get3A_30, %get3A_31] : memref<1x256xf32, #tpu.memory_space<vmem>>, vector<1x256xf32>
      %mul3A_33 = vector.broadcast %convert_element_type3A_17 : vector<256x1xf32> to vector<256x256xf32>
      %mul3A_34 = vector.broadcast %get3A_32 : vector<1x256xf32> to vector<256x256xf32>
      %mul3A_35 = arith.mulf %mul3A_33, %mul3A_34 : vector<256x256xf32>
      %add3A = arith.addf %dot_general3A_22, %mul3A_35 : vector<256x256xf32>
      %swap3A = arith.constant 0 : index
      %swap3A_36 = arith.constant 0 : index
      %swap3A_37 = vector.load %arg6[%swap3A, %swap3A_36] : memref<256x256xf32, #tpu.memory_space<vmem>>, vector<256x256xf32>
      tpu.vector_store %arg6[%swap3A, %swap3A_36], %add3A {strides = array<i32>} : memref<256x256xf32, #tpu.memory_space<vmem>>, vector<256x256xf32>,
    } else {
    }
    %ne3A = arith.constant 0 : i32
    %ne3A_26 = arith.cmpi ne, %arg1, %ne3A : i32
    %convert_element_type3A_27 = arith.extui %ne3A_26 : i1 to i32
    %cond3A_28 = arith.constant 0 : i32
    %cond3A_29 = arith.cmpi ne, %convert_element_type3A_27, %cond3A_28 : i32
    scf.if %cond3A_29 {
      %get3A_30 = arith.constant 0 : index
      %get3A_31 = arith.constant 0 : index
      %get3A_32 = vector.load %arg6[%get3A_30, %get3A_31] : memref<256x256xf32, #tpu.memory_space<vmem>>, vector<256x256xf32>
      %add3A = arith.addf %get3A_32, %dot_general3A_22 : vector<256x256xf32>
      %swap3A = arith.constant 0 : index
      %swap3A_33 = arith.constant 0 : index
      %swap3A_34 = vector.load %arg6[%swap3A, %swap3A_33] : memref<256x256xf32, #tpu.memory_space<vmem>>, vector<256x256xf32>
      tpu.vector_store %arg6[%swap3A, %swap3A_33], %add3A {strides = array<i32>} : memref<256x256xf32, #tpu.memory_space<vmem>>, vector<256x256xf32>,
    } else {
    }
    return
  }
  func.func @transform_0(%arg0: i32, %arg1: i32) -> (i32, i32, i32, i32) {
    %c0_i32 = arith.constant 0 : i32
    %c0_i32_0 = arith.constant 0 : i32
    %c0_i32_1 = arith.constant 0 : i32
    return %c0_i32, %arg1, %arg0, %c0_i32_0 : i32, i32, i32, i32
  }
  func.func @transform_1(%arg0: i32, %arg1: i32) -> (i32, i32, i32) {
    %c0_i32 = arith.constant 0 : i32
    %c0_i32_0 = arith.constant 0 : i32
    %c0_i32_1 = arith.constant 0 : i32
    return %c0_i32, %arg0, %c0_i32_0 : i32, i32, i32
  }
  func.func @transform_2(%arg0: i32, %arg1: i32) -> (i32, i32) {
    %c0_i32 = arith.constant 0 : i32
    %c0_i32_0 = arith.constant 0 : i32
    return %arg1, %c0_i32 : i32, i32
  }
  func.func @transform_3(%arg0: i32, %arg1: i32) -> (i32, i32) {
    %c0_i32 = arith.constant 0 : i32
    %c0_i32_0 = arith.constant 0 : i32
    %c0_i32_1 = arith.constant 0 : i32
    return %c0_i32, %c0_i32_0 : i32, i32
  }
  func.func @transform_4(%arg0: i32, %arg1: i32) -> (i32, i32) {
    %c0_i32 = arith.constant 0 : i32
    %c0_i32_0 = arith.constant 0 : i32
    return %arg0, %c0_i32 : i32, i32
  }
}

</mosaic_0001>

<sc_bundles>
// kernel: kernel.7.cloned.1.call-start
scs
__scs_entry_jumppad:
0x0: {  	(pc) =	sbr.rel $0x88, $3  }
0x1: {  	(tag) =	ssettag $0x0;
	lr =	simm.s32 $0x1  }
0x2: {  	[smem:$0x3F90] =	sst lr;
	_ =	strace $0xD0000000  }
0x3: {  	_ = 	snop  }
0x4: {  	_ = 	snop  }
0x5: {  	_ = 	snop  }
0x6: {  	_ = 	snop  }
0x7: {  	_ = 	snop  }
__scs_overlays_trampoline_lowered:
0x8: {  	[smem:$0x3F9F] =	sst s0  }
0x9: {  	[smem:$0x3FA0] =	sst s1  }
0xa: {  	[smem:$0x3FA1] =	sst s2  }
0xb: {  	[smem:$0x3FA2] =	sst s3  }
0xc: {  	[smem:$0x3FA3] =	sst s4  }
0xd: {  	[smem:$0x3FA4] =	sst s5  }
0xe: {  	[smem:$0x3FA5] =	sst s6  }
0xf: {  	[smem:$0x3FA6] =	sst s7  }
0x10: {  	[smem:$0x3FA7] =	sst s8  }
0x11: {  	[smem:$0x3FA8] =	sst s9;
	s0 =	simm.s32 @!p0 $0x0  }
0x12: {  	s1 =	sld [smem:$0x3F8E];
	s0 =	simm.s32 @p0 $0x1  }
0x13: {  	[smem:$0x3FA9] =	sst s0;
	s0 =	simm.s32 @!p1 $0x0  }
0x14: {  	s2 =	sld [smem:$0x3F8D];
	s0 =	simm.s32 @p1 $0x1  }
0x15: {  	[smem:$0x3FAA] =	sst s0;
	s0 =	simm.s32 @!p2 $0x0  }
0x16: {  	s3 =	sld [smem:$0x3FDB];
	s0 =	simm.s32 @p2 $0x1  }
0x17: {  	s4 =	simm.s32 $0x1BF5;
	[smem:$0x3FAC] =	sst s0  }
0x18: {  	s0 =	sld [smem:$0x3F8F];
	_ =	swait.ge [sflag:s4], $0x0  }
0x19: {  	s7 =	sld [smem:$0x3F90]  }
0x1a: {  	s8 =	sadd.s32 $0xFFFFE003, lr  }
0x1b: {  	s9 =	sadd.s32 $0xFFFFFEF7, lr;
	s5 =	simm.s32 $0xFFFFFFFF;
	p2 =	slt.u32 s8, $0xFFFFF086  }
0x1c: {  	p1 =	slt.u32 s9, $0xF7A;
	s5 =	simm.s32 @!p2 $0x0  }
0x1d: {  	s5 =	simm.s32 @p1 $0x1;
	p0 =	seq.s32 s7, s2  }
0x1e: {  	s7 =	smul.u32 @!p0 $0xF7A, s2;
	p2 =	seq.s32 @!p0 s5, $0x0  }
0x1f: {  	s9 =	smul.u32 $0xF7A, s1;
	s8 =	simm.s32 @!p0 $0x1BF5;
	p2 =	por !p2, p0  }
0x20: {  	[sflag:s8] =	ssyncset.s32 @!p0 $0xFFFFF086;
	s6 =	sadd.s32 @!p0 s3, s7;
	s7 =	simm.s32 @!p0 $0x108  }
0x21: {  	s3 =	sadd.s32 s3, s9;
	s6 =	sadd.s32 @!p0 $0x88, s6;
	s7 =	simm.s32 @p2 $0x1082  }
0x22: {  	[simem:s7], [sflag:s8] =	dma.local @!p0 [hbm:s6], $0xF7A  }
0x23: {  	s9 =	sor.u32 $0xD0000000, s2;
	s6 =	simm.s32 $0x108;
	_ =	swait.ge @!p0 [sflag:s8], $0x0  }
0x24: {  	s3 =	sadd.s32 $0x88, s3;
	s6 =	simm.s32 @!p1 $0x1082;
	[sflag:s4] =	ssyncset.s32 $0xFFFFF086  }
0x25: {  	[simem:s6], [sflag:s4] =	dma.local [hbm:s3], $0xF7A  }
0x26: {  	[smem:$0x3F90] =	sst s1;
	(tag) =	ssettag s2;
	_ =	strace s9  }
0x27: {  	s1 =	sld [smem:$0x3FA0]  }
0x28: {  	s2 =	sld [smem:$0x3FA1]  }
0x29: {  	s4 =	sld [smem:$0x3FA3]  }
0x2a: {  	p0 =	seq.s32 s5, $0x0;
	s5 =	sld [smem:$0x3FA4]  }
0x2b: {  	s6 =	sld [smem:$0x3FA5]  }
0x2c: {  	s7 =	sld [smem:$0x3FA6]  }
0x2d: {  	s3 =	simm.s32 $0x108;
	s8 =	sld [smem:$0x3FA7]  }
0x2e: {  	s3 =	simm.s32 @!p0 $0x1082;
	s9 =	sld [smem:$0x3FA8]  }
0x2f: {  	lr =	sadd.s32 s0, s3;
	s0 =	sld [smem:$0x3F9F]  }
0x30: {  	s3 =	sld [smem:$0x3FA2]  }
0x31: {  	[smem:$0x3FAB] =	sst s10  }
0x32: {  	s10 =	sld [smem:$0x3FA9];
	_ =	sdelay $0x3  }
0x33: {  	p0 =	seq.s32 s10, $0x1;
	s10 =	sld [smem:$0x3FAB];
	_ =	sdelay $0x3  }
0x34: {  	[smem:$0x3FAB] =	sst s10  }
0x35: {  	s10 =	sld [smem:$0x3FAA];
	_ =	sdelay $0x3  }
0x36: {  	p1 =	seq.s32 s10, $0x1;
	s10 =	sld [smem:$0x3FAB];
	_ =	sdelay $0x3  }
0x37: {  	[smem:$0x3FAB] =	sst s10  }
0x38: {  	s10 =	sld [smem:$0x3FAC]  }
0x39: {  	_ = 	snop;
	(pc) =	sbr.ind lr, $3  }
0x3a: {  	_ = 	snop  }
0x3b: {  	_ = 	snop  }
0x3c: {  	p2 =	seq.s32 s10, $0x1;
	s10 =	sld [smem:$0x3FAB]  }
0x3d: {  	_ =	shalt  }
0x3e: {  	_ =	shalt  }
0x3f: {  	_ =	shalt  }
0x40: {  	_ =	shalt  }
0x41: {  	_ =	shalt  }
0x42: {  	_ =	shalt  }
0x43: {  	_ =	shalt  }
0x44: {  	_ =	shalt  }
0x45: {  	_ =	shalt  }
0x46: {  	_ =	shalt  }
0x47: {  	_ =	shalt  }
0x48: {  	_ =	shalt  }
0x49: {  	_ =	shalt  }
0x4a: {  	_ =	shalt  }
0x4b: {  	_ =	shalt  }
0x4c: {  	_ =	shalt  }
0x4d: {  	_ =	shalt  }
0x4e: {  	_ =	shalt  }
0x4f: {  	_ =	shalt  }
0x50: {  	_ =	shalt  }
0x51: {  	_ =	shalt  }
0x52: {  	_ =	shalt  }
0x53: {  	_ =	shalt  }
0x54: {  	_ =	shalt  }
0x55: {  	_ =	shalt  }
0x56: {  	_ =	shalt  }
0x57: {  	_ =	shalt  }
0x58: {  	_ =	shalt  }
0x59: {  	_ =	shalt  }
0x5a: {  	_ =	shalt  }
0x5b: {  	_ =	shalt  }
0x5c: {  	_ =	shalt  }
0x5d: {  	_ =	shalt  }
0x5e: {  	_ =	shalt  }
0x5f: {  	_ =	shalt  }
0x60: {  	_ =	shalt  }
0x61: {  	_ =	shalt  }
0x62: {  	_ =	shalt  }
0x63: {  	_ =	shalt  }
0x64: {  	_ =	shalt  }
0x65: {  	_ =	shalt  }
0x66: {  	_ =	shalt  }
0x67: {  	_ =	shalt  }
0x68: {  	_ =	shalt  }
0x69: {  	_ =	shalt  }
0x6a: {  	_ =	shalt  }
0x6b: {  	_ =	shalt  }
0x6c: {  	_ =	shalt  }
0x6d: {  	_ =	shalt  }
0x6e: {  	_ =	shalt  }
0x6f: {  	_ =	shalt  }
0x70: {  	_ =	shalt  }
0x71: {  	_ =	shalt  }
0x72: {  	_ =	shalt  }
0x73: {  	_ =	shalt  }
0x74: {  	_ =	shalt  }
0x75: {  	_ =	shalt  }
0x76: {  	_ =	shalt  }
0x77: {  	_ =	shalt  }
0x78: {  	_ =	shalt  }
0x79: {  	_ =	shalt  }
0x7a: {  	_ =	shalt  }
0x7b: {  	_ =	shalt  }
0x7c: {  	_ =	shalt  }
0x7d: {  	_ =	shalt  }
0x7e: {  	_ =	shalt  }
0x7f: {  	_ =	shalt  }
0x80: {  	_ =	shalt  }
0x81: {  	_ =	shalt  }
0x82: {  	_ =	shalt  }
0x83: {  	_ =	shalt  }
0x84: {  	_ =	shalt  }
0x85: {  	_ =	shalt  }
0x86: {  	_ =	shalt  }
0x87: {  	_ =	shalt  }
.Lfunc_end0:
.L_simem_size_0:
called_computation.2_lowered:
.L_overlay_start_0:
0x88: {  	s2 =	sld [smem:$0x3FD9]  }
0x89: {  	s3 =	sld [smem:$0x3FFE];
	_ =	sdelay $0x1  }
0x8a: {  	s1 =	srdreg.scid  }
0x8b: {  	s0 =	sand.u32 $0x1, s1  }
0x8c: {  	s16 =	sshll.u32 s0, $0xA;
	s2 =	sadd.s32 s3, s2  }
0x8d: {  	s2 =	sadd.s32 s2, s16  }
0x8e: {  	[smem:$0x3FB7] =	sst s2  }
0x8f: {  	_ = 	snop  }
0x90: {  	(tm) =	ssettm $0x1  }
0x91: {  	s17 =	sld [smem:$0x3FFB];
	_ =	sdelay $0x3  }
0x92: {  	_ =	strace s17  }
0x93: {  	s2 =	sld [smem:$0x3FFC];
	_ =	sdelay $0x3  }
0x94: {  	_ =	strace s2  }
0x95: {  	s2 =	sld [smem:$0x3FFD];
	_ =	sdelay $0x3  }
0x96: {  	_ =	strace s2  }
0x97: {  	_ =	strace $0x8FFFFFFF  }
0x98: {  	s18 =	sld [smem:$0x3FDB];
	_ =	sdelay $0x1  }
0x99: {  	s19 =	simm.s32 $_scs_section_size  }
0x9a: {  	s4 =	simm.s32 $_size__tile_overlayer_lowered;
	s5 =	simm.s32 $_tile_overlayer_lowered  }
0x9b: {  	s22 =	simm.s32 $0x1BFF;
	s21 =	sshll.u32 s5, $0x1;
	s2 =	sadd.s32 s19, s18  }
0x9c: {  	s6 =	simm.s32 $0x0;
	s20 =	sshll.u32 s4, $0x1;
	s4 =	sadd.s32 s21, s2  }
0x9d: {  	[timem:s6], [sflag:s22] =	dma.local [hbm:s4], s20  }
0x9e: {  	_ =	swait.ge [sflag:s22], s20  }
0x9f: {  	s3 =	ssub.s32 $0x0, s20;
	[sflag:s22] =	ssyncset.done $0x0  }
0xa0: {  	[sflag:s22] =	ssyncadd.s32 s3;
	_ =	sdelay $0x1  }
0xa1: {  	s23 =	simm.s32 $0x1B8B  }
0xa2: {  	_ =	swait.ge [sflag:s23], $0x1  }
0xa3: {  	[sflag:s23] =	ssyncset.done $0x0  }
0xa4: {  	s25 =	simm.s32 $0x1B8E;
	s24 =	sld [smem:$0x3FFE];
	[sflag:s23] =	ssyncadd.s32 $0xFFFFFFFF  }
0xa5: {  	s26 =	simm.s32 $execute0_lowered;
	[smem:$0x3FD2] =	sst s25  }
0xa6: {  	s4 =	sshll.u32 s26, $0x1;
	_ =	strace $0x8000004C;
	[dreg:$0x1] =	wrdreg $0xFFFFFFFF  }
0xa7: {  	s28 =	simm.s32 $_size_execute0_lowered;
	s2 =	sadd.s32 s2, s4;
	[dreg:$0x0] =	wrdreg $0x0  }
0xa8: {  	s4 =	sshll.u32 s28, $0x1;
	[dreg:$0x2] =	wrdreg s2  }
0xa9: {  	[dreg:$0x3] =	wrdreg s4  }
0xaa: {  	[dreg:$0x4] =	wrdreg $0xC0  }
0xab: {  	_ =	task [dreg:s6], $0x5FFFF  }
0xac: {  	[dreg:$0x1] =	wrdreg $0xFFFFFFFF  }
0xad: {  	[dreg:$0x0] =	wrdreg $0x60  }
0xae: {  	[dreg:$0x2] =	wrdreg s24  }
0xaf: {  	[dreg:$0x3] =	wrdreg $0x9  }
0xb0: {  	_ =	task.clear_ibuf [dreg:s6], $0x4FFFF;
	_ =	strace $0x9000004C  }
0xb1: {  	s29 =	simm.s32 $0x9;
	_ =	strace $0x8000004E  }
0xb2: {  	_ =	swait.ge [sflag:s29], $0x1  }
0xb3: {  	[sflag:s29] =	ssyncadd.s32 $0xFFFFFFFF  }
0xb4: {  	_ =	strace $0x9000004E  }
0xb5: {  	_ =	sfence  }
0xb6: {  	s30 =	sld [smem:$0x0];
	_ =	sdelay $0x2  }
0xb7: {  	s31 =	sshll.u32 s1, $0xD;
	s1 =	sshrl.u32 s1, $0x2  }
0xb8: {  	s3 =	sand.u32 $0x4000, s31;
	s1 =	sadd.s32 s1, s30  }
0xb9: {  	s0 =	sor.u32 s3, s0;
	s1 =	sshll.u32 s1, $0x11  }
0xba: {  	s0 =	sor.u32 s1, s0  }
0xbb: {  	s0 =	sadd.s32 $0x8F2B, s0  }
0xbc: {  	[sflag:s0] =	ssyncadd.remote.s32 $0x1  }
0xbd: {  	_ =	sfence.sel $0xFFFF  }
0xbe: {  	[dreg:$0x0] =	wrdreg $0xFFFFFFFF;
	(pc) =	sbr.abs _section_cstart, $3  }
0xbf: {  	[dreg:$0x1] =	wrdreg $0xFFFFFFFF  }
0xc0: {  	_ =	task.clear_ibuf [dreg:s6], $0x2FFFF;
	_ =	strace $0x9FFFFFFF  }
0xc1: {  	(tm) =	ssettm $0x7FFFFFFF  }
tec
execute0_lowered:
.L_overlay_start_1:
0x0: {  	(tag) =	ssettag $0x1  }
0x1: {  	s0 =	rddreg [dreg:$0x0]  }
0x2: {  	s2 =	simm.s32 $0x0;
	s1 =	srdreg.scid;
	s3 =	stileid.u32  }
0x3: {  	s16 =	simm.s32 $0x3;
	s17 =	simm.s32 $0x400;
	s18 =	simm.s32 $0x80  }
0x4: {  	s19 =	simm.s32 $0x8800;
	s20 =	simm.s32 $0x8C00;
	s10 =	simm.s32 $0x1  }
0x5: {  	s14 =	simm.s32 $0x11000;
	s1 =	sand.u32 $0x1, s1;
	s4 =	sshll.u32 s3, $0x1  }
0x6: {  	s21 =	simm.s32 $0x2;
	s7 =	ssub.s32 $0x2, s1;
	s1 =	sor.u32 s1, s4  }
0x7: {  	s22 =	simm.s32 $0x0;
	s3 =	sadd.s32 $0x4D9800, s0;
	s9 =	smul.u32 $0x7800, s1  }
0x8: {  	[smem:$0x7FF] =	sst s2;
	s6 =	sadd.s32 $0x2F3800, s0;
	s28 =	smul.u32 $0x3C000, s1  }
0x9: {  	s5 =	sadd.s32 $0x5800, s0;
	_ =	strace $0x8000004D;
	s30 =	smul.u32 $0x3C00, s1  }
0xa: {  	s4 =	sadd.s32 $0x203800, s0;
	s8 =	sshrl.u32 s7, $0x1;
	s11 =	smul.u32 $0x1E000, s1  }
0xb: {  	s1 =	simm.s32 $0x8B00;
	s24 =	ssub.s32 s7, s8;
	s8 =	simm.s32 $0x8B80  }
0xc: {  	s25 =	sadd.s32 s3, s9;
	s26 =	sor.u32 $0x80, s9;
	s9 =	sadd.s32 s4, s9  }
.Ltmp0:
0xd: {  	s12 =	sor.u32 $0x800, s28;
	[dreg:$0x2] =	wrdreg s25;
	(pc) =	sbr.rel .LBB2_1-.Ltmp0, $4  }
0xe: {  	s13 =	sor.u32 $0xC00, s28;
	s0 =	smax.u32 s24, $0x1;
	[dreg:$0x3] =	wrdreg s9  }
0xf: {  	s31 =	sadd.s32 s30, s6;
	s29 =	sadd.s32 s3, s26;
	[dreg:$0x6] =	wrdreg s0  }
0x10: {  	s7 =	sadd.s32 s4, s26;
	s15 =	sadd.s32 $0x40, s31;
	[dreg:$0x4] =	wrdreg s29  }
0x11: {  	s9 =	simm.s32 $0x10000;
	[dreg:$0x5] =	wrdreg s7;
	s7 =	simm.s32 $0xF000  }
.LBB2_12:
0x12: {  	s22 =	rddreg [dreg:$0x7]  }
0x13: {  	s0 =	rddreg [dreg:$0x6];
	s22 =	sadd.s32 $0x1, s22  }
0x14: {  	p0 =	sne.s32 s22, s0  }
.Ltmp1:
0x15: {  	_ = 	snop;
	(pc) =	sbr.rel @!p0 .LBB2_13-.Ltmp1, $1  }
0x16: {  	_ =	sdelay $0x3  }
.LBB2_1:
0x17: {  	[dreg:$0x7] =	wrdreg s22  }
0x18: {  	s0 =	rddreg [dreg:$0x2]  }
0x19: {  	[tilespmem:s2], [sflag:$0x3] =	stream.linear.gather [hbm4b:s0+s2], $0x400, $0x38;
	[tilespmem:$0x11200] =	vst v63  }
0x1a: {  	_ =	swait.ge [sflag:s16], $0x400  }
0x1b: {  	[sflag:s16] =	ssyncset.done $0x0  }
0x1c: {  	s30 =	rddreg [dreg:$0x3];
	[sflag:s16] =	ssyncadd.s32 $0xFFFFFC00  }
0x1d: {  	[tilespmem:s17], [sflag:$0x3] =	stream.linear.gather [hbm4b:s30+s2], $0x400, $0x38;
	[tilespmem:$0x11200] =	vst v63  }
0x1e: {  	_ =	swait.ge [sflag:s16], $0x400  }
0x1f: {  	[sflag:s16] =	ssyncset.done $0x0  }
0x20: {  	s31 =	simm.s32 $0x800;
	[sflag:s16] =	ssyncadd.s32 $0xFFFFFC00  }
0x21: {  	[tilespmem:s31], [sflag:$0x1] =	stream.indirect.gather [hbm4b:s5+s18], $0x20, s2, s18, $0xb8;
	[tilespmem:$0x11200] =	vst v63  }
0x22: {  	s22 =	simm.s32 $0x1800  }
0x23: {  	[tilespmem:s22], [sflag:$0x1] =	stream.indirect.gather [hbm4b:s5+s18], $0x20, s18, s18, $0xb8;
	[tilespmem:$0x11200] =	vst v63  }
0x24: {  	s23 =	simm.s32 $0x100;
	s24 =	simm.s32 $0x2800  }
0x25: {  	[tilespmem:s24], [sflag:$0x1] =	stream.indirect.gather [hbm4b:s5+s18], $0x20, s23, s18, $0xb8;
	[tilespmem:$0x11200] =	vst v63  }
0x26: {  	s25 =	simm.s32 $0x180;
	s26 =	simm.s32 $0x3800  }
0x27: {  	[tilespmem:s26], [sflag:$0x1] =	stream.indirect.gather [hbm4b:s5+s18], $0x20, s25, s18, $0xb8;
	[tilespmem:$0x11200] =	vst v63  }
0x28: {  	s28 =	simm.s32 $0x200;
	s29 =	simm.s32 $0x4800  }
0x29: {  	[tilespmem:s29], [sflag:$0x1] =	stream.indirect.gather [hbm4b:s5+s18], $0x20, s28, s18, $0xb8;
	[tilespmem:$0x11200] =	vst v63  }
0x2a: {  	s30 =	simm.s32 $0x280;
	s31 =	simm.s32 $0x5800  }
0x2b: {  	[tilespmem:s31], [sflag:$0x1] =	stream.indirect.gather [hbm4b:s5+s18], $0x20, s30, s18, $0xb8;
	[tilespmem:$0x11200] =	vst v63  }
0x2c: {  	s22 =	simm.s32 $0x300;
	s23 =	simm.s32 $0x6800  }
0x2d: {  	[tilespmem:s23], [sflag:$0x1] =	stream.indirect.gather [hbm4b:s5+s18], $0x20, s22, s18, $0xb8;
	[tilespmem:$0x11200] =	vst v63  }
0x2e: {  	s24 =	simm.s32 $0x380;
	s25 =	simm.s32 $0x7800  }
0x2f: {  	[tilespmem:s25], [sflag:$0x1] =	stream.indirect.gather [hbm4b:s5+s18], $0x20, s24, s18, $0xb8;
	[tilespmem:$0x11200] =	vst v63  }
0x30: {  	s26 =	rddreg [dreg:$0x4]  }
0x31: {  	[tilespmem:s19], [sflag:$0x3] =	stream.linear.gather [hbm4b:s26+s2], $0x400, $0x38;
	[tilespmem:$0x11200] =	vst v63  }
0x32: {  	_ =	swait.ge [sflag:s16], $0x400  }
0x33: {  	[sflag:s16] =	ssyncset.done $0x0  }
0x34: {  	s28 =	rddreg [dreg:$0x5];
	[sflag:s16] =	ssyncadd.s32 $0xFFFFFC00  }
0x35: {  	[tilespmem:s20], [sflag:$0x3] =	stream.linear.gather [hbm4b:s28+s2], $0x400, $0x38;
	[tilespmem:$0x11200] =	vst v63  }
0x36: {  	_ =	swait.ge [sflag:s16], $0x400  }
0x37: {  	[sflag:s16] =	ssyncset.done $0x0  }
0x38: {  	s29 =	simm.s32 $0x9000;
	[sflag:s16] =	ssyncadd.s32 $0xFFFFFC00  }
0x39: {  	[tilespmem:s29], [sflag:$0x2] =	stream.indirect.gather [hbm4b:s5+s18], $0x20, s19, s18, $0xb8;
	[tilespmem:$0x11200] =	vst v63  }
0x3a: {  	s30 =	simm.s32 $0x8880;
	s31 =	simm.s32 $0xA000  }
0x3b: {  	[tilespmem:s31], [sflag:$0x2] =	stream.indirect.gather [hbm4b:s5+s18], $0x20, s30, s18, $0xb8;
	[tilespmem:$0x11200] =	vst v63  }
0x3c: {  	s23 =	simm.s32 $0x8900;
	s24 =	simm.s32 $0xB000  }
0x3d: {  	[tilespmem:s24], [sflag:$0x2] =	stream.indirect.gather [hbm4b:s5+s18], $0x20, s23, s18, $0xb8;
	[tilespmem:$0x11200] =	vst v63  }
0x3e: {  	s25 =	simm.s32 $0x8980;
	s26 =	simm.s32 $0xC000  }
0x3f: {  	[tilespmem:s26], [sflag:$0x2] =	stream.indirect.gather [hbm4b:s5+s18], $0x20, s25, s18, $0xb8;
	[tilespmem:$0x11200] =	vst v63  }
0x40: {  	s28 =	simm.s32 $0x8A00;
	s29 =	simm.s32 $0xD000  }
0x41: {  	[tilespmem:s29], [sflag:$0x2] =	stream.indirect.gather [hbm4b:s5+s18], $0x20, s28, s18, $0xb8;
	[tilespmem:$0x11200] =	vst v63  }
0x42: {  	s30 =	simm.s32 $0x8A80;
	s31 =	simm.s32 $0xE000  }
0x43: {  	[tilespmem:s31], [sflag:$0x2] =	stream.indirect.gather [hbm4b:s5+s18], $0x20, s30, s18, $0xb8;
	[tilespmem:$0x11200] =	vst v63  }
0x44: {  	_ = 	snop  }
0x45: {  	[tilespmem:s7], [sflag:$0x2] =	stream.indirect.gather [hbm4b:s5+s18], $0x20, s1, s18, $0xb8;
	[tilespmem:$0x11200] =	vst v63  }
0x46: {  	s22 =	simm.s32 $0x0  }
0x47: {  	[tilespmem:s9], [sflag:$0x2] =	stream.indirect.gather [hbm4b:s5+s18], $0x20, s8, s18, $0xb8;
	[tilespmem:$0x11200] =	vst v63  }
.LBB2_2:
0x48: {  	_ =	swait.ge [sflag:s10], $0x8000  }
0x49: {  	s23 =	simm.s32 $0x0;
	[sflag:s10] =	ssyncset.done $0x0  }
0x4a: {  	s24 =	simm.s32 $0x840;
	s25 =	simm.s32 $0x0;
	[sflag:s10] =	ssyncadd.s32 $0xFFFF8000  }
.LBB2_3:
0x4b: {  	s26 =	sadd.s32 $0x0, s23  }
0x4c: {  	v0 =	vmov s26;
	s28 =	sadd.s32 $0x1, s26  }
0x4d: {  	v0 =	vand.u32 $0xFFFFFFFC, v0;
	v1 =	vmov s28;
	s28 =	sadd.s32 $0x2, s26  }
0x4e: {  	v2 =	vbroadcast v0, $0x0;
	v0 =	vand.u32 $0xFFFFFFFD, v1;
	v1 =	vmov s28  }
0x4f: {  	v5 =	vld [tilespmem:s24+$0xFFFFFFD0];
	v3 =	vbroadcast v0, $0x0;
	v4 =	vand.u32 $0xFFFFFFFE, v1  }
0x50: {  	v6 =	vld [tilespmem:s24+$0xFFFFFFF0];
	v9 =	vbroadcast v4, $0x0  }
0x51: {  	v0 =	vld [tilespmem:s24+$0x0]  }
0x52: {  	s26 =	sadd.s32 $0x3, s26;
	v1 =	vld [tilespmem:s24+$0xFFFFFFE0]  }
0x53: {  	v10 =	vmov s26;
	v4 =	vld [tilespmem:s24+$0xFFFFFFC0]  }
0x54: {  	v8 =	vld.idx.msk [tilespmem:v2+s17+$0x0], $0xffff  }
0x55: {  	s28 =	sadd.s32 $0x4, s23;
	v2 =	vld.idx.msk [tilespmem:v3+s17+$0x0], $0xffff  }
0x56: {  	v7 =	vimm.f32 $0.0e+00;
	s29 =	simm.s32 $0x8;
	s26 =	smov.u32 s24;
	v11 =	vmov s28;
	v3 =	vld.idx.msk [tilespmem:v9+s17+$0x0], $0xffff;
	v9 =	vimm.f32 $0.0e+00  }
.LBB2_4:
0x57: {  	p0 =	sne.s32 s29, $0x3C;
	v11 =	vand.u32 $0xFFFFFFFC, v11;
	s30 =	sadd.s32 $0x1, s28;
	s31 =	sadd.s32 $0x2, s28;
	v12 =	vld [tilespmem:s26+$0x10]  }
0x58: {  	v11 =	vbroadcast v11, $0x0;
	v13 =	vmov s30;
	v14 =	vmov s31;
	v15 =	vld.idx.msk [tilespmem:v10+s17+$0x0], $0xffff  }
0x59: {  	v4 =	vmul.f32 v4, v8;
	v5 =	vmul.f32 v5, v8;
	v10 =	vand.u32 $0xFFFFFFFD, v13;
	v8 =	vld [tilespmem:s26+$0x20]  }
0x5a: {  	v13 =	vbroadcast v10, $0x0;
	v10 =	vand.u32 $0xFFFFFFFE, v14;
	v14 =	vmul.f32 v1, v2;
	v16 =	vld [tilespmem:s26+$0x30];
	s26 =	sadd.s32 $0x80, s26  }
0x5b: {  	v7 =	vadd.f32 v4, v7;
	v5 =	vadd.f32 v5, v9;
	v2 =	vmul.f32 v6, v2;
	v17 =	vld [tilespmem:s26+$0x0]  }
0x5c: {  	v18 =	vbroadcast v10, $0x0;
	v0 =	vmul.f32 v0, v3;
	v1 =	vld [tilespmem:s26+$0xFFFFFFE0]  }
0x5d: {  	s28 =	sadd.s32 $0x3, s28;
	v6 =	vadd.f32 v14, v7;
	v2 =	vadd.f32 v2, v5;
	v3 =	vmul.f32 v12, v3;
	v4 =	vld [tilespmem:s26+$0xFFFFFFC0]  }
.Ltmp2:
0x5e: {  	v10 =	vmov s28;
	v5 =	vld [tilespmem:s26+$0xFFFFFFD0];
	v7 =	vmul.f32 v8, v15;
	(pc) =	sbr.rel @p0 .LBB2_4-.Ltmp2, $4  }
0x5f: {  	v9 =	vadd.f32 v0, v6;
	v3 =	vadd.f32 v3, v2;
	v8 =	vld.idx.msk [tilespmem:v11+s17+$0x0], $0xffff;
	v11 =	vmul.f32 v16, v15  }
0x60: {  	v2 =	vld.idx.msk [tilespmem:v13+s17+$0x0], $0xffff;
	v0 =	vmov v17  }
0x61: {  	s28 =	sadd.s32 s29, s23;
	v7 =	vadd.f32 v7, v9;
	v6 =	vld [tilespmem:s26+$0xFFFFFFF0];
	v9 =	vadd.f32 v11, v3  }
0x62: {  	s29 =	sadd.s32 $0x4, s29;
	v11 =	vmov s28;
	v3 =	vld.idx.msk [tilespmem:v18+s17+$0x0], $0xffff  }
0x63: {  	_ =	sdelay $0x2  }
0x64: {  	v12 =	vld [tilespmem:s26+$0x10]  }
0x65: {  	s29 =	sadd.s32 $0x1, s28;
	v11 =	vand.u32 $0xFFFFFFFC, v11;
	v10 =	vld.idx.msk [tilespmem:v10+s17+$0x0], $0xffff  }
0x66: {  	v14 =	vld [tilespmem:s26+$0x20];
	v13 =	vmov s29;
	v11 =	vbroadcast v11, $0x0  }
0x67: {  	s0 =	sadd.s32 $0x2, s28;
	v16 =	vld [tilespmem:s26+$0x30];
	s29 =	sadd.s32 $0x80, s26;
	v13 =	vand.u32 $0xFFFFFFFD, v13  }
0x68: {  	v15 =	vmov s0;
	v17 =	vld [tilespmem:s29+$0x0];
	v13 =	vbroadcast v13, $0x0  }
0x69: {  	v4 =	vmul.f32 v4, v8;
	v15 =	vand.u32 $0xFFFFFFFE, v15;
	v18 =	vld [tilespmem:s29+$0xFFFFFFE0]  }
0x6a: {  	v5 =	vmul.f32 v5, v8;
	v44 =	vld [tilespmem:s29+$0xFFFFFFC0];
	v15 =	vbroadcast v15, $0x0  }
0x6b: {  	v1 =	vmul.f32 v1, v2;
	v45 =	vld [tilespmem:s29+$0xFFFFFFD0];
	v4 =	vadd.f32 v4, v7  }
0x6c: {  	s30 =	sadd.s32 $0x3, s28;
	v5 =	vadd.f32 v5, v9;
	v46 =	vmul.f32 v6, v2;
	v48 =	vld.idx.msk [tilespmem:v11+s17+$0x0], $0xffff  }
0x6d: {  	v47 =	vmov s30;
	v51 =	vld [tilespmem:s29+$0xFFFFFFF0];
	v0 =	vmul.f32 v0, v3;
	v1 =	vadd.f32 v1, v4  }
0x6e: {  	v2 =	vadd.f32 v46, v5;
	v50 =	vmul.f32 v12, v3;
	v49 =	vld.idx.msk [tilespmem:v13+s17+$0x0], $0xffff  }
0x6f: {  	v55 =	vld [tilespmem:s29+$0x10];
	v52 =	vmul.f32 v14, v10;
	v0 =	vadd.f32 v0, v1  }
0x70: {  	v54 =	vmul.f32 v16, v10;
	v2 =	vadd.f32 v50, v2;
	v53 =	vld.idx.msk [tilespmem:v15+s17+$0x0], $0xffff  }
0x71: {  	v57 =	vld [tilespmem:s29+$0x20];
	v0 =	vadd.f32 v52, v0;
	v8 =	vmul.f32 v44, v48  }
0x72: {  	v6 =	vld.idx.msk [tilespmem:v47+s17+$0x0], $0xffff;
	v2 =	vadd.f32 v54, v2;
	v56 =	vmul.f32 v45, v48  }
0x73: {  	v59 =	vld [tilespmem:s29+$0x30];
	v58 =	vmul.f32 v18, v49;
	v0 =	vadd.f32 v8, v0  }
0x74: {  	v2 =	vadd.f32 v56, v2;
	v60 =	vmul.f32 v51, v49  }
0x75: {  	v61 =	vmul.f32 v17, v53;
	v0 =	vadd.f32 v58, v0  }
0x76: {  	s31 =	sshll.u32 s25, $0x5;
	s25 =	sadd.s32 $0x1, s25;
	v1 =	vmul.f32 v55, v53;
	v2 =	vadd.f32 v60, v2  }
0x77: {  	p0 =	sne.s32 s25, $0x10;
	v62 =	vmul.f32 v57, v6;
	v0 =	vadd.f32 v61, v0  }
.Ltmp3:
0x78: {  	v63 =	vmul.f32 v59, v6;
	v1 =	vadd.f32 v1, v2;
	(pc) =	sbr.rel @p0 .LBB2_3-.Ltmp3, $4  }
0x79: {  	v0 =	vadd.f32 v62, v0  }
0x7a: {  	s26 =	sand.u32 $0x3FFFFFE0, s31;
	v1 =	vadd.f32 v63, v1  }
0x7b: {  	[tilespmem:s26+$0x11000] =	vst v0  }
0x7c: {  	s23 =	sadd.s32 $0x40, s23;
	s24 =	sadd.s32 $0x800, s24;
	[tilespmem:s26+$0x11010] =	vst v1  }
0x7d: {  	s23 =	sshll.u32 s22, $0xA  }
0x7e: {  	s23 =	sadd.s32 s11, s23  }
0x7f: {  	s23 =	sshrl.u32 s23, $0x3  }
0x80: {  	s23 =	sadd.s32 s6, s23  }
0x81: {  	[hbm4b:s23+s2] =	stream.linear.scatter [tilespmem:s14], [sflag:$0x3], $0x200, $0x38;
	[tilespmem:$0x11200] =	vst v63  }
0x82: {  	p0 =	seq.s32 s22, $0x77;
	s23 =	sshll.u32 s22, $0xB  }
0x83: {  	_ =	swait.ge [sflag:s16], $0x200;
	s24 =	sadd.s32 @!p0 s23, s12  }
0x84: {  	[sflag:s16] =	ssyncset.done $0x0;
	s24 =	sshrl.u32 @!p0 s24, $0x3  }
0x85: {  	s26 =	simm.s32 @!p0 $0x0;
	[sflag:s16] =	ssyncadd.s32 $0xFFFFFE00;
	s25 =	sadd.s32 @!p0 s3, s24  }
0x86: {  	[tilespmem:s26], [sflag:$0x3] =	stream.linear.gather @!p0 [hbm4b:s25+s26], $0x400, $0x38;
	[tilespmem:$0x11200] =	vst v63  }
0x87: {  	s25 =	simm.s32 @!p0 $0x3  }
0x88: {  	_ =	swait.ge @!p0 [sflag:s25], $0x400  }
0x89: {  	[sflag:s25] =	ssyncset.done @!p0 $0x0  }
0x8a: {  	s28 =	simm.s32 @!p0 $0x400;
	s24 =	sadd.s32 @!p0 s4, s24;
	[sflag:s25] =	ssyncadd.s32 @!p0 $0xFFFFFC00  }
0x8b: {  	[tilespmem:s28], [sflag:$0x3] =	stream.linear.gather @!p0 [hbm4b:s24+s26], $0x400, $0x38;
	[tilespmem:$0x11200] =	vst v63  }
0x8c: {  	_ =	swait.ge @!p0 [sflag:s25], $0x400  }
0x8d: {  	[sflag:s25] =	ssyncset.done @!p0 $0x0  }
0x8e: {  	s24 =	simm.s32 @!p0 $0x80;
	[sflag:s25] =	ssyncadd.s32 @!p0 $0xFFFFFC00;
	s25 =	simm.s32 @!p0 $0x800  }
0x8f: {  	[tilespmem:s25], [sflag:$0x1] =	stream.indirect.gather @!p0 [hbm4b:s5+s24], $0x20, s26, s24, $0xb8;
	[tilespmem:$0x11200] =	vst v63  }
0x90: {  	s25 =	simm.s32 @!p0 $0x1800  }
0x91: {  	[tilespmem:s25], [sflag:$0x1] =	stream.indirect.gather @!p0 [hbm4b:s5+s24], $0x20, s24, s24, $0xb8;
	[tilespmem:$0x11200] =	vst v63  }
0x92: {  	s26 =	simm.s32 @!p0 $0x2800;
	s25 =	simm.s32 @!p0 $0x100  }
0x93: {  	[tilespmem:s26], [sflag:$0x1] =	stream.indirect.gather @!p0 [hbm4b:s5+s24], $0x20, s25, s24, $0xb8;
	[tilespmem:$0x11200] =	vst v63  }
0x94: {  	s25 =	simm.s32 @!p0 $0x180;
	s26 =	simm.s32 @!p0 $0x3800  }
0x95: {  	[tilespmem:s26], [sflag:$0x1] =	stream.indirect.gather @!p0 [hbm4b:s5+s24], $0x20, s25, s24, $0xb8;
	[tilespmem:$0x11200] =	vst v63  }
0x96: {  	s25 =	simm.s32 @!p0 $0x200;
	s26 =	simm.s32 @!p0 $0x4800  }
0x97: {  	[tilespmem:s26], [sflag:$0x1] =	stream.indirect.gather @!p0 [hbm4b:s5+s24], $0x20, s25, s24, $0xb8;
	[tilespmem:$0x11200] =	vst v63  }
0x98: {  	s25 =	simm.s32 @!p0 $0x280;
	s26 =	simm.s32 @!p0 $0x5800  }
0x99: {  	[tilespmem:s26], [sflag:$0x1] =	stream.indirect.gather @!p0 [hbm4b:s5+s24], $0x20, s25, s24, $0xb8;
	[tilespmem:$0x11200] =	vst v63  }
0x9a: {  	s25 =	simm.s32 @!p0 $0x300;
	s26 =	simm.s32 @!p0 $0x6800  }
0x9b: {  	[tilespmem:s26], [sflag:$0x1] =	stream.indirect.gather @!p0 [hbm4b:s5+s24], $0x20, s25, s24, $0xb8;
	[tilespmem:$0x11200] =	vst v63  }
0x9c: {  	s25 =	simm.s32 @!p0 $0x380;
	s26 =	simm.s32 @!p0 $0x7800  }
0x9d: {  	[tilespmem:s26], [sflag:$0x1] =	stream.indirect.gather @!p0 [hbm4b:s5+s24], $0x20, s25, s24, $0xb8;
	[tilespmem:$0x11200] =	vst v63  }
0x9e: {  	_ =	swait.ge [sflag:s21], $0x8000  }
0x9f: {  	s28 =	simm.s32 $0x9040;
	[sflag:s21] =	ssyncset.done $0x0  }
0xa0: {  	s24 =	simm.s32 $0x0;
	s26 =	simm.s32 $0x0;
	[sflag:s21] =	ssyncadd.s32 $0xFFFF8000  }
.LBB2_7:
0xa1: {  	s25 =	sadd.s32 $0x0, s24  }
0xa2: {  	v0 =	vmov s25;
	s29 =	sadd.s32 $0x1, s25  }
0xa3: {  	v0 =	vand.u32 $0xFFFFFFFC, v0;
	v1 =	vmov s29;
	s29 =	sadd.s32 $0x2, s25  }
0xa4: {  	v2 =	vbroadcast v0, $0x0;
	v0 =	vand.u32 $0xFFFFFFFD, v1;
	v1 =	vmov s29  }
0xa5: {  	v5 =	vld [tilespmem:s28+$0xFFFFFFD0];
	v3 =	vbroadcast v0, $0x0;
	v4 =	vand.u32 $0xFFFFFFFE, v1  }
0xa6: {  	v6 =	vld [tilespmem:s28+$0xFFFFFFF0];
	v9 =	vbroadcast v4, $0x0  }
0xa7: {  	v0 =	vld [tilespmem:s28+$0x0]  }
0xa8: {  	s25 =	sadd.s32 $0x3, s25;
	v1 =	vld [tilespmem:s28+$0xFFFFFFE0]  }
0xa9: {  	v10 =	vmov s25;
	v4 =	vld [tilespmem:s28+$0xFFFFFFC0]  }
0xaa: {  	v8 =	vld.idx.msk [tilespmem:v2+s20+$0x0], $0xffff  }
0xab: {  	s29 =	sadd.s32 $0x4, s24;
	v2 =	vld.idx.msk [tilespmem:v3+s20+$0x0], $0xffff  }
0xac: {  	v7 =	vimm.f32 $0.0e+00;
	s30 =	simm.s32 $0x8;
	s25 =	smov.u32 s28;
	v11 =	vmov s29;
	v3 =	vld.idx.msk [tilespmem:v9+s20+$0x0], $0xffff;
	v9 =	vimm.f32 $0.0e+00  }
.LBB2_8:
0xad: {  	p1 =	sne.s32 s30, $0x3C;
	v11 =	vand.u32 $0xFFFFFFFC, v11;
	s31 =	sadd.s32 $0x1, s29;
	s0 =	sadd.s32 $0x2, s29;
	v12 =	vld [tilespmem:s25+$0x10]  }
0xae: {  	v11 =	vbroadcast v11, $0x0;
	v13 =	vmov s31;
	v14 =	vmov s0;
	v15 =	vld.idx.msk [tilespmem:v10+s20+$0x0], $0xffff  }
0xaf: {  	v4 =	vmul.f32 v4, v8;
	v5 =	vmul.f32 v5, v8;
	v10 =	vand.u32 $0xFFFFFFFD, v13;
	v8 =	vld [tilespmem:s25+$0x20]  }
0xb0: {  	v13 =	vbroadcast v10, $0x0;
	v10 =	vand.u32 $0xFFFFFFFE, v14;
	v14 =	vmul.f32 v1, v2;
	v16 =	vld [tilespmem:s25+$0x30];
	s25 =	sadd.s32 $0x80, s25  }
0xb1: {  	v7 =	vadd.f32 v4, v7;
	v5 =	vadd.f32 v5, v9;
	v2 =	vmul.f32 v6, v2;
	v17 =	vld [tilespmem:s25+$0x0]  }
0xb2: {  	v18 =	vbroadcast v10, $0x0;
	v0 =	vmul.f32 v0, v3;
	v1 =	vld [tilespmem:s25+$0xFFFFFFE0]  }
0xb3: {  	s0 =	sadd.s32 $0x3, s29;
	v6 =	vadd.f32 v14, v7;
	v2 =	vadd.f32 v2, v5;
	v3 =	vmul.f32 v12, v3;
	v4 =	vld [tilespmem:s25+$0xFFFFFFC0]  }
.Ltmp4:
0xb4: {  	v10 =	vmov s0;
	v5 =	vld [tilespmem:s25+$0xFFFFFFD0];
	v7 =	vmul.f32 v8, v15;
	(pc) =	sbr.rel @p1 .LBB2_8-.Ltmp4, $4  }
0xb5: {  	v9 =	vadd.f32 v0, v6;
	v3 =	vadd.f32 v3, v2;
	v8 =	vld.idx.msk [tilespmem:v11+s20+$0x0], $0xffff;
	v11 =	vmul.f32 v16, v15  }
0xb6: {  	v2 =	vld.idx.msk [tilespmem:v13+s20+$0x0], $0xffff;
	v0 =	vmov v17  }
0xb7: {  	s29 =	sadd.s32 s30, s24;
	v7 =	vadd.f32 v7, v9;
	v6 =	vld [tilespmem:s25+$0xFFFFFFF0];
	v9 =	vadd.f32 v11, v3  }
0xb8: {  	s30 =	sadd.s32 $0x4, s30;
	v11 =	vmov s29;
	v3 =	vld.idx.msk [tilespmem:v18+s20+$0x0], $0xffff  }
0xb9: {  	_ =	sdelay $0x2  }
0xba: {  	v12 =	vld [tilespmem:s25+$0x10]  }
0xbb: {  	s0 =	sadd.s32 $0x1, s29;
	v11 =	vand.u32 $0xFFFFFFFC, v11;
	v10 =	vld.idx.msk [tilespmem:v10+s20+$0x0], $0xffff  }
0xbc: {  	v14 =	vld [tilespmem:s25+$0x20];
	v13 =	vmov s0;
	v11 =	vbroadcast v11, $0x0  }
0xbd: {  	s30 =	sadd.s32 $0x2, s29;
	v16 =	vld [tilespmem:s25+$0x30];
	s31 =	sadd.s32 $0x80, s25;
	v13 =	vand.u32 $0xFFFFFFFD, v13  }
0xbe: {  	v15 =	vmov s30;
	v17 =	vld [tilespmem:s31+$0x0];
	v13 =	vbroadcast v13, $0x0  }
0xbf: {  	v4 =	vmul.f32 v4, v8;
	v18 =	vld [tilespmem:s31+$0xFFFFFFE0];
	v15 =	vand.u32 $0xFFFFFFFE, v15  }
0xc0: {  	v5 =	vmul.f32 v5, v8;
	v44 =	vld [tilespmem:s31+$0xFFFFFFC0];
	v15 =	vbroadcast v15, $0x0  }
0xc1: {  	v45 =	vld [tilespmem:s31+$0xFFFFFFD0];
	v1 =	vmul.f32 v1, v2;
	v4 =	vadd.f32 v4, v7  }
0xc2: {  	s30 =	sadd.s32 $0x3, s29;
	v5 =	vadd.f32 v5, v9;
	v46 =	vmul.f32 v6, v2;
	v48 =	vld.idx.msk [tilespmem:v11+s20+$0x0], $0xffff  }
0xc3: {  	v51 =	vld [tilespmem:s31+$0xFFFFFFF0];
	v47 =	vmov s30;
	v0 =	vmul.f32 v0, v3;
	v1 =	vadd.f32 v1, v4  }
0xc4: {  	v2 =	vadd.f32 v46, v5;
	v50 =	vmul.f32 v12, v3;
	v49 =	vld.idx.msk [tilespmem:v13+s20+$0x0], $0xffff  }
0xc5: {  	v55 =	vld [tilespmem:s31+$0x10];
	v52 =	vmul.f32 v14, v10;
	v0 =	vadd.f32 v0, v1  }
0xc6: {  	v54 =	vmul.f32 v16, v10;
	v2 =	vadd.f32 v50, v2;
	v53 =	vld.idx.msk [tilespmem:v15+s20+$0x0], $0xffff  }
0xc7: {  	v57 =	vld [tilespmem:s31+$0x20];
	v0 =	vadd.f32 v52, v0;
	v8 =	vmul.f32 v44, v48  }
0xc8: {  	v6 =	vld.idx.msk [tilespmem:v47+s20+$0x0], $0xffff;
	v2 =	vadd.f32 v54, v2;
	v56 =	vmul.f32 v45, v48  }
0xc9: {  	v59 =	vld [tilespmem:s31+$0x30];
	v58 =	vmul.f32 v18, v49;
	v0 =	vadd.f32 v8, v0  }
0xca: {  	v2 =	vadd.f32 v56, v2;
	v60 =	vmul.f32 v51, v49  }
0xcb: {  	v61 =	vmul.f32 v17, v53;
	v0 =	vadd.f32 v58, v0  }
0xcc: {  	s31 =	sshll.u32 s26, $0x5;
	s26 =	sadd.s32 $0x1, s26;
	v1 =	vmul.f32 v55, v53;
	v2 =	vadd.f32 v60, v2  }
0xcd: {  	p1 =	sne.s32 s26, $0x10;
	v62 =	vmul.f32 v57, v6;
	v0 =	vadd.f32 v61, v0  }
.Ltmp5:
0xce: {  	v63 =	vmul.f32 v59, v6;
	v1 =	vadd.f32 v1, v2;
	(pc) =	sbr.rel @p1 .LBB2_7-.Ltmp5, $4  }
0xcf: {  	v0 =	vadd.f32 v62, v0  }
0xd0: {  	s0 =	sand.u32 $0x3FFFFFE0, s31;
	v1 =	vadd.f32 v63, v1  }
0xd1: {  	[tilespmem:s0+$0x11000] =	vst v0  }
0xd2: {  	s24 =	sadd.s32 $0x40, s24;
	s28 =	sadd.s32 $0x800, s28;
	[tilespmem:s0+$0x11010] =	vst v1  }
0xd3: {  	s0 =	sshll.u32 s22, $0x7  }
.Ltmp6:
0xd4: {  	s0 =	sadd.s32 s15, s0;
	(pc) =	sbr.rel @p0 .LBB2_12-.Ltmp6, $4  }
0xd5: {  	[hbm4b:s0+s2] =	stream.linear.scatter [tilespmem:s14], [sflag:$0x3], $0x200, $0x38;
	[tilespmem:$0x11200] =	vst v63  }
0xd6: {  	_ =	swait.ge [sflag:s16], $0x200  }
0xd7: {  	[sflag:s16] =	ssyncset.done $0x0  }
0xd8: {  	[sflag:s16] =	ssyncadd.s32 $0xFFFFFE00  }
0xd9: {  	s0 =	sadd.s32 s23, s13  }
0xda: {  	s0 =	sshrl.u32 s0, $0x3  }
0xdb: {  	s28 =	sadd.s32 s3, s0  }
0xdc: {  	[tilespmem:s19], [sflag:$0x3] =	stream.linear.gather [hbm4b:s28+s2], $0x400, $0x38;
	[tilespmem:$0x11200] =	vst v63  }
0xdd: {  	_ =	swait.ge [sflag:s16], $0x400  }
0xde: {  	[sflag:s16] =	ssyncset.done $0x0  }
0xdf: {  	s0 =	sadd.s32 s4, s0;
	[sflag:s16] =	ssyncadd.s32 $0xFFFFFC00  }
0xe0: {  	[tilespmem:s20], [sflag:$0x3] =	stream.linear.gather [hbm4b:s0+s2], $0x400, $0x38;
	[tilespmem:$0x11200] =	vst v63  }
0xe1: {  	_ =	swait.ge [sflag:s16], $0x400  }
0xe2: {  	[sflag:s16] =	ssyncset.done $0x0  }
0xe3: {  	s29 =	simm.s32 $0x9000;
	[sflag:s16] =	ssyncadd.s32 $0xFFFFFC00  }
0xe4: {  	[tilespmem:s29], [sflag:$0x2] =	stream.indirect.gather [hbm4b:s5+s18], $0x20, s19, s18, $0xb8;
	[tilespmem:$0x11200] =	vst v63  }
0xe5: {  	s30 =	simm.s32 $0x8880;
	s31 =	simm.s32 $0xA000  }
0xe6: {  	[tilespmem:s31], [sflag:$0x2] =	stream.indirect.gather [hbm4b:s5+s18], $0x20, s30, s18, $0xb8;
	[tilespmem:$0x11200] =	vst v63  }
0xe7: {  	s23 =	simm.s32 $0x8900;
	s24 =	simm.s32 $0xB000  }
0xe8: {  	[tilespmem:s24], [sflag:$0x2] =	stream.indirect.gather [hbm4b:s5+s18], $0x20, s23, s18, $0xb8;
	[tilespmem:$0x11200] =	vst v63  }
0xe9: {  	s25 =	simm.s32 $0x8980;
	s26 =	simm.s32 $0xC000  }
0xea: {  	[tilespmem:s26], [sflag:$0x2] =	stream.indirect.gather [hbm4b:s5+s18], $0x20, s25, s18, $0xb8;
	[tilespmem:$0x11200] =	vst v63  }
0xeb: {  	s28 =	simm.s32 $0x8A00;
	s29 =	simm.s32 $0xD000  }
0xec: {  	[tilespmem:s29], [sflag:$0x2] =	stream.indirect.gather [hbm4b:s5+s18], $0x20, s28, s18, $0xb8;
	[tilespmem:$0x11200] =	vst v63  }
0xed: {  	s30 =	simm.s32 $0x8A80;
	s31 =	simm.s32 $0xE000  }
0xee: {  	[tilespmem:s31], [sflag:$0x2] =	stream.indirect.gather [hbm4b:s5+s18], $0x20, s30, s18, $0xb8;
	[tilespmem:$0x11200] =	vst v63  }
.Ltmp7:
0xef: {  	_ = 	snop;
	(pc) =	sbr.rel .LBB2_2-.Ltmp7, $4  }
0xf0: {  	_ = 	snop  }
0xf1: {  	[tilespmem:s7], [sflag:$0x2] =	stream.indirect.gather [hbm4b:s5+s18], $0x20, s1, s18, $0xb8;
	[tilespmem:$0x11200] =	vst v63  }
0xf2: {  	s22 =	sadd.s32 $0x1, s22  }
0xf3: {  	[tilespmem:s9], [sflag:$0x2] =	stream.indirect.gather [hbm4b:s5+s18], $0x20, s8, s18, $0xb8;
	[tilespmem:$0x11200] =	vst v63  }
.LBB2_13:
0xf4: {  	_ =	sfence.sel $0x180000  }
0xf5: {  	[bflag:$0x0] =	sbarrier.arrive $0xFFFF  }
0xf6: {  	_ =	strace $0x9000004D  }
0xf7: {  	s0 =	stileid.u32;
	[bflag:$0x2] =	sbarrier.arrive $0xFFFF  }
0xf8: {  	p0 =	sne.s32 s0, $0x0;
	s0 =	rddreg [dreg:$0x1]  }
0xf9: {  	s0 =	sadd.s32 @!p0 $0x100000, s0  }
0xfa: {  	[sflag:s0] =	ssyncadd.tile.s32 @!p0 $0x1;
	_ =	shalt  }
.Lfunc_end2:
_tile_overlayer_lowered:
.L_overlay_start_2:
0xfb: {  	(tag) =	ssettag $0x2  }
0xfc: {  	s0 =	rddreg [dreg:$0x0];
	s2 =	stileid.u32  }
0xfd: {  	s1 =	rddreg [dreg:$0x1];
	p0 =	sne.s32 s2, $0x0  }
0xfe: {  	s3 =	rddreg [dreg:$0x2];
	[bflag:$0x3] =	sbarrier.arrive $0xFFFF;
	s2 =	simm.s32 @!p0 $0x1C03  }
0xff: {  	[timem:s3], [sflag:s2] =	dma.local @!p0 [hbm:s0], s1  }
0x100: {  	s0 =	simm.s32 @!p0 $0x3  }
0x101: {  	_ =	swait.ge @!p0 [sflag:s0], s1  }
0x102: {  	s1 =	ssub.s32 @!p0 $0x0, s1;
	[sflag:s0] =	ssyncset.done @!p0 $0x0  }
0x103: {  	[sflag:s0] =	ssyncadd.s32 @!p0 s1  }
0x104: {  	[bflag:$0x3] =	sbarrier.arrive $0xFFFF  }
0x105: {  	_ =	shalt  }

// kernel: sparse-core-data-format-call.1.cloned.1.call-start
scs
called_computation.1_lowered:
.L_overlay_start_0:
0x0: {  	s2 =	sld [smem:$0x3FD9]  }
0x1: {  	s3 =	sld [smem:$0x3FFE];
	_ =	sdelay $0x1  }
0x2: {  	s1 =	srdreg.scid  }
0x3: {  	s0 =	sand.u32 $0x1, s1  }
0x4: {  	s18 =	sshll.u32 s0, $0xA;
	s2 =	sadd.s32 s3, s2  }
0x5: {  	s2 =	sadd.s32 s2, s18  }
0x6: {  	[smem:$0x3FB7] =	sst s2  }
0x7: {  	_ = 	snop  }
0x8: {  	s2 =	sld [smem:$0x3FC7];
	(tm) =	ssettm $0x1  }
0x9: {  	s19 =	sld [smem:$0x3FFB];
	_ =	sdelay $0x3  }
0xa: {  	_ =	strace s19  }
0xb: {  	s3 =	sld [smem:$0x3FFC];
	_ =	sdelay $0x3  }
0xc: {  	_ =	strace s3  }
0xd: {  	s3 =	sld [smem:$0x3FFD];
	_ =	sdelay $0x3  }
0xe: {  	_ =	strace s3  }
0xf: {  	_ =	strace $0x8FFFFFFF  }
0x10: {  	s20 =	sld [smem:$0x3FDB];
	_ =	sdelay $0x1  }
0x11: {  	s4 =	simm.s32 $_scs_section_size  }
0x12: {  	s5 =	simm.s32 $_size__tile_overlayer_lowered;
	s6 =	simm.s32 $_tile_overlayer_lowered  }
0x13: {  	s23 =	simm.s32 $0x1BFF;
	s22 =	sshll.u32 s6, $0x1;
	s3 =	sadd.s32 s4, s20  }
0x14: {  	s7 =	simm.s32 $0x0;
	s21 =	sshll.u32 s5, $0x1;
	s5 =	sadd.s32 s22, s3  }
0x15: {  	[timem:s7], [sflag:s23] =	dma.local [hbm:s5], s21  }
0x16: {  	_ =	swait.ge [sflag:s23], s21  }
0x17: {  	s4 =	ssub.s32 $0x0, s21;
	[sflag:s23] =	ssyncset.done $0x0  }
0x18: {  	[sflag:s23] =	ssyncadd.s32 s4;
	_ =	sdelay $0x1  }
0x19: {  	s24 =	simm.s32 $0x1B8B  }
0x1a: {  	_ =	swait.ge [sflag:s24], $0x1  }
0x1b: {  	[sflag:s24] =	ssyncset.done $0x0  }
0x1c: {  	s26 =	simm.s32 $0x1B8E;
	s25 =	sld [smem:$0x3FFE];
	[sflag:s24] =	ssyncadd.s32 $0xFFFFFFFF  }
0x1d: {  	s27 =	simm.s32 $execute0_lowered;
	[smem:$0x3FD2] =	sst s26  }
0x1e: {  	s5 =	sshll.u32 s27, $0x1;
	_ =	strace $0x80000046;
	[dreg:$0x1] =	wrdreg $0xFFFFFFFF  }
0x1f: {  	s28 =	simm.s32 $_size_execute0_lowered;
	s3 =	sadd.s32 s3, s5;
	[dreg:$0x0] =	wrdreg $0x0  }
0x20: {  	s5 =	sshll.u32 s28, $0x1;
	[dreg:$0x2] =	wrdreg s3  }
0x21: {  	[dreg:$0x3] =	wrdreg s5  }
0x22: {  	[dreg:$0x4] =	wrdreg $0xC0  }
0x23: {  	_ =	task [dreg:s7], $0x5FFFF  }
0x24: {  	[dreg:$0x1] =	wrdreg $0xFFFFFFFF  }
0x25: {  	[dreg:$0x0] =	wrdreg $0x60  }
0x26: {  	[dreg:$0x2] =	wrdreg s2  }
0x27: {  	[dreg:$0x3] =	wrdreg s25  }
0x28: {  	[dreg:$0x4] =	wrdreg $0x9  }
0x29: {  	_ =	task.clear_ibuf [dreg:s7], $0x5FFFF;
	_ =	strace $0x90000046  }
0x2a: {  	s29 =	simm.s32 $0x9;
	_ =	strace $0x80000048  }
0x2b: {  	_ =	swait.ge [sflag:s29], $0x1  }
0x2c: {  	[sflag:s29] =	ssyncadd.s32 $0xFFFFFFFF  }
0x2d: {  	_ =	strace $0x90000048  }
0x2e: {  	_ =	sfence  }
0x2f: {  	s30 =	sld [smem:$0x0];
	_ =	sdelay $0x2  }
0x30: {  	s31 =	sshll.u32 s1, $0xD;
	s1 =	sshrl.u32 s1, $0x2  }
0x31: {  	s3 =	sand.u32 $0x4000, s31;
	s1 =	sadd.s32 s1, s30  }
0x32: {  	s0 =	sor.u32 s3, s0;
	s1 =	sshll.u32 s1, $0x11  }
0x33: {  	s0 =	sor.u32 s1, s0  }
0x34: {  	s0 =	sadd.s32 $0x8F2B, s0  }
0x35: {  	[sflag:s0] =	ssyncadd.remote.s32 $0x1  }
0x36: {  	_ =	sfence.sel $0xFFFF  }
0x37: {  	[dreg:$0x0] =	wrdreg $0xFFFFFFFF;
	(pc) =	sbr.abs _section_cstart, $3  }
0x38: {  	[dreg:$0x1] =	wrdreg $0xFFFFFFFF  }
0x39: {  	_ =	task.clear_ibuf [dreg:s7], $0x2FFFF;
	_ =	strace $0x9FFFFFFF  }
0x3a: {  	(tm) =	ssettm $0x7FFFFFFF  }
0x3b: {  	_ =	shalt  }
tec
execute0_lowered:
.L_overlay_start_1:
0x0: {  	(tag) =	ssettag $0x1  }
0x1: {  	s0 =	stileid.u32  }
0x2: {  	s2 =	srdreg.scid;
	s8 =	rddreg [dreg:$0x1]  }
0x3: {  	s9 =	simm.s32 $0x2;
	s1 =	sshll.u32 s0, $0x7;
	s3 =	sshll.u32 s2, $0x7  }
0x4: {  	s16 =	simm.s32 $0x0;
	s3 =	sand.u32 $0x80, s3;
	s4 =	ssub.s32 $0x1C00, s1  }
0x5: {  	s5 =	sshrl.u32 s4, $0xB;
	s4 =	sand.u32 $0x780, s4;
	s6 =	ssub.s32 $0x100, s3  }
0x6: {  	p0 =	sne.s32 s4, $0x0;
	s4 =	simm.s32 $0x1;
	s7 =	sshrl.u32 s6, $0x7  }
0x7: {  	s6 =	sshrl.u32 s6, $0x8;
	s4 =	simm.s32 @!p0 $0x0;
	s7 =	sand.u32 $0x1, s7  }
0x8: {  	s10 =	simm.s32 $0xE000;
	s5 =	sadd.s32 s4, s5;
	s6 =	sadd.s32 s6, s7  }
0x9: {  	s15 =	simm.s32 $0x0;
	s14 =	simm.s32 $0x0;
	s6 =	smul.u32 s6, s5  }
.Ltmp0:
0xa: {  	s12 =	simm.s32 $0x0;
	s2 =	rddreg [dreg:$0x0];
	(pc) =	sbr.rel .LBB1_1-.Ltmp0, $4  }
0xb: {  	s13 =	simm.s32 $0x0;
	s11 =	smov.u32 s1;
	s4 =	rddreg [dreg:$0x2]  }
0xc: {  	_ =	strace $0x80000047;
	s5 =	simm.s32 $0x1;
	s6 =	smul.u32 $0x6, s6  }
0xd: {  	p0 =	por $0x0, $0x0;
	s7 =	sadd.s32 $0x5800, s8;
	[sflag:s5] =	ssyncpa.u1 $0x0  }
0xe: {  	s8 =	sshll.u32 s3, $0x3;
	[sflag:s9] =	ssyncpa.u1 $0x0;
	s9 =	sor.u32 $0x1, s6  }
.LBB1_4:
0xf: {  	s16 =	sshrl.u32 s16, $0x3  }
0x10: {  	v5 =	vld [tilespmem:s20+$0xFFFFFFD0];
	[tilespmem:s19+$0x2040 ss:$0x81] =	vst.msk $0xffff, v4;
	s22 =	sshll.u32 s15, $0x3;
	s16 =	smul.u32 $0xE000, s16  }
0x11: {  	v58 =	vld [tilespmem:s20+$0xFFFFFFE0];
	[tilespmem:s19+$0x2850 ss:$0x81] =	vst.msk $0xffff, v3;
	s22 =	sand.u32 $0xFFFFFC00, s22  }
0x12: {  	s21 =	sshra.s32 s21, $0x2;
	v59 =	vld [tilespmem:s20+$0xFFFFFFF0];
	[tilespmem:s19+$0x3060 ss:$0x81] =	vst.msk $0xffff, v2;
	s16 =	sadd.s32 s22, s16  }
0x13: {  	v60 =	vld [tilespmem:s20+$0x0];
	[tilespmem:s19+$0x0 ss:$0x81] =	vst.msk $0xffff, v0;
	s18 =	sadd.s32 s21, s18;
	s25 =	sshrl.u32 s16, $0xA  }
0x14: {  	v61 =	vld [tilespmem:s20+$0x10];
	[tilespmem:s18+$0x3870 ss:$0x81] =	vst.msk $0xffff, v1;
	s19 =	smulhi.u32 $0x24924925, s25  }
0x15: {  	v62 =	vld [tilespmem:s20+$0x20];
	[tilespmem:s18+$0x810 ss:$0x81] =	vst.msk $0xffff, v5  }
0x16: {  	v63 =	vld [tilespmem:s20+$0xFFFFFFC0];
	s26 =	sand.u32 $0x7F, s15;
	[tilespmem:s18+$0x1020 ss:$0x81] =	vst.msk $0xffff, v58;
	s27 =	smul.u32 $0x1C00, s19  }
0x17: {  	s14 =	smul.u32 $0x38000, s14;
	s15 =	sor.u32 s26, s16;
	[tilespmem:s18+$0x1830 ss:$0x81] =	vst.msk $0xffff, v59;
	s28 =	sand.u32 $0xFF, s19  }
0x18: {  	[tilespmem:s18+$0x2040 ss:$0x81] =	vst.msk $0xffff, v60;
	s16 =	smul.u32 $0x380, s28;
	s15 =	ssub.s32 s15, s27  }
0x19: {  	s14 =	sadd.s32 s7, s14;
	[tilespmem:s18+$0x2850 ss:$0x81] =	vst.msk $0xffff, v61;
	s29 =	sand.u32 $0x7, s15  }
0x1a: {  	[tilespmem:s18+$0x3060 ss:$0x81] =	vst.msk $0xffff, v62;
	s15 =	sshrl.u32 s15, $0x3;
	s14 =	sadd.s32 s16, s14;
	s30 =	sshll.u32 s29, $0x12  }
0x1b: {  	[tilespmem:s18+$0x0 ss:$0x81] =	vst.msk $0xffff, v63;
	s14 =	sadd.s32 s15, s14;
	s31 =	sor.u32 $0x400, s30  }
0x1c: {  	[hbm4b:s14+s31] =	stream.strided.scatter [tilespmem:s17], [sflag:$0x2], $0x4000, s10, s31, $0x20;
	[tilespmem:$0x10100] =	vst v63  }
.LBB1_5:
0x1d: {  	s17 =	sadd.s32 $0x800, s11  }
0x1e: {  	s14 =	simm.s32 $0x1;
	p2 =	sgt.s32 s17, $0x1BFF  }
0x1f: {  	s14 =	simm.s32 @!p2 $0x0  }
0x20: {  	s18 =	sadd.s32 s14, s12  }
0x21: {  	s17 =	smov.u32 @p2 s1;
	p2 =	sgt.s32 s18, $0x5  }
0x22: {  	p1 =	slt.u32 s13, $0x2;
	s18 =	simm.s32 @p2 $0x0;
	p2 =	sne.s32 s13, s9  }
.Ltmp1:
0x23: {  	s16 =	simm.s32 @!p1 $0x2;
	(pc) =	sbr.rel @!p2 .LBB1_6-.Ltmp1, $4  }
0x24: {  	_ =	swait.ge @!p1 [sflag:s16], $0x4000  }
0x25: {  	s15 =	smov.u32 s11;
	p0 =	por !p0, !p0;
	[sflag:s16] =	ssyncset.done @!p1 $0x0  }
0x26: {  	s14 =	smov.u32 s12;
	s11 =	smov.u32 s17;
	[sflag:s16] =	ssyncadd.s32 @!p1 $0xFFFFC000  }
0x27: {  	s16 =	smov.u32 s3;
	s13 =	sadd.s32 $0x1, s13;
	s12 =	smov.u32 s18  }
.LBB1_1:
0x28: {  	p1 =	sge.u32 s13, s6  }
0x29: {  	s17 =	sshll.u32 @!p1 s11, $0x8  }
0x2a: {  	s18 =	sshll.u32 @!p1 s11, $0x7;
	s17 =	sand.u32 @!p1 $0xFFFFF800, s17  }
0x2b: {  	s18 =	sand.u32 @!p1 $0x300, s18;
	s17 =	sor.u32 @!p1 s8, s17  }
0x2c: {  	s17 =	sor.u32 @!p1 s18, s17  }
0x2d: {  	s17 =	sshrl.u32 @!p1 s17, $0x8  }
0x2e: {  	s18 =	smulhi.u32 @!p1 $0x924925, s17;
	_ =	sdelay $0x1  }
0x2f: {  	s18 =	sshrl.u32 @!p1 s18, $0x4  }
0x30: {  	s18 =	smul.u32 @!p1 $0x1C00, s18  }
0x31: {  	s31 =	sadd.s32 $0xFFFFFFFF, s13;
	s19 =	smul.u32 @!p1 $0x38000, s12  }
0x32: {  	s20 =	sxor.u32 @!p1 $0xFFFFFFFF, s13;
	s17 =	ssub.s32 @!p1 s17, s18;
	s18 =	sshll.u32 @!p1 s11, $0x4  }
0x33: {  	s20 =	sshll.u32 @!p1 s20, $0xE;
	s19 =	sadd.s32 @!p1 s2, s19;
	s18 =	sand.u32 @!p1 $0x10, s18  }
0x34: {  	s20 =	sand.u32 @!p1 $0x4000, s20;
	s17 =	sshll.u32 @!p1 s17, $0x5;
	s18 =	sadd.s32 @!p1 s18, s19  }
0x35: {  	s19 =	simm.s32 @!p1 $0x800;
	s17 =	sadd.s32 @!p1 s17, s18;
	s18 =	simm.s32 @!p1 $0x400  }
0x36: {  	[tilespmem:s20], [sflag:$0x1] =	stream.strided.gather @!p1 [hbm4b:s17+s18], $0x4000, s19, s18, $0x38;
	[tilespmem:$0x10100] =	vst v63  }
0x37: {  	p1 =	sge.u32 s31, s6  }
.Ltmp2:
0x38: {  	_ = 	snop;
	(pc) =	sbr.rel @p1 .LBB1_5-.Ltmp2, $1  }
0x39: {  	_ =	sdelay $0x3  }
0x3a: {  	s17 =	simm.s32 $0x1  }
0x3b: {  	_ =	swait.ge [sflag:s5], $0x4000;
	s17 =	simm.s32 @!p0 $0x0  }
0x3c: {  	[sflag:s5] =	ssyncset.done $0x0;
	s18 =	sshll.u32 s17, $0xE  }
0x3d: {  	[sflag:s5] =	ssyncadd.s32 $0xFFFFC000;
	s20 =	sor.u32 $0x40, s18  }
0x3e: {  	s17 =	smul.u32 $0x10200, s17;
	v0 =	vld [tilespmem:s20+$0x30]  }
0x3f: {  	v1 =	vld [tilespmem:s20+$0xFFFFFFD0]  }
0x40: {  	s17 =	sshrl.u32 s17, $0x2;
	v5 =	vld [tilespmem:s20+$0xFFFFFFE0]  }
0x41: {  	v6 =	vld [tilespmem:s20+$0xFFFFFFF0];
	s18 =	sor.u32 $0x8000, s17  }
0x42: {  	s31 =	sand.u32 $0x1, s13;
	v4 =	vld [tilespmem:s20+$0x0];
	s19 =	sadd.s32 $0x0, s18  }
0x43: {  	v3 =	vld [tilespmem:s20+$0x10];
	s17 =	smul.u32 $0x10200, s31;
	[tilespmem:s19+$0x3870 ss:$0x81] =	vst.msk $0xffff, v0  }
0x44: {  	v2 =	vld [tilespmem:s20+$0x20];
	[tilespmem:s19+$0x810 ss:$0x81] =	vst.msk $0xffff, v1  }
0x45: {  	s17 =	sshrl.u32 s17, $0x2;
	v0 =	vld [tilespmem:s20+$0xFFFFFFC0];
	[tilespmem:s19+$0x1020 ss:$0x81] =	vst.msk $0xffff, v5;
	s20 =	sadd.s32 $0x80, s20  }
0x46: {  	s21 =	simm.s32 $0x4;
	s22 =	simm.s32 $0x8;
	s17 =	sor.u32 $0x8000, s17;
	[tilespmem:s19+$0x1830 ss:$0x81] =	vst.msk $0xffff, v6;
	v1 =	vld [tilespmem:s20+$0x30]  }
.LBB1_3:
0x47: {  	p1 =	sne.s32 s22, $0x1FC;
	v5 =	vld [tilespmem:s20+$0xFFFFFFD0];
	[tilespmem:s19+$0x2040 ss:$0x81] =	vst.msk $0xffff, v4  }
0x48: {  	v6 =	vld [tilespmem:s20+$0xFFFFFFE0];
	[tilespmem:s19+$0x2850 ss:$0x81] =	vst.msk $0xffff, v3  }
0x49: {  	s23 =	sshra.s32 s21, $0x2;
	s21 =	smov.u32 s22;
	v7 =	vld [tilespmem:s20+$0xFFFFFFF0];
	[tilespmem:s19+$0x3060 ss:$0x81] =	vst.msk $0xffff, v2  }
.Ltmp3:
0x4a: {  	v4 =	vld [tilespmem:s20+$0x0];
	[tilespmem:s19+$0x0 ss:$0x81] =	vst.msk $0xffff, v0;
	s19 =	sadd.s32 s23, s18;
	(pc) =	sbr.rel @p1 .LBB1_3-.Ltmp3, $4  }
0x4b: {  	v3 =	vld [tilespmem:s20+$0x10];
	[tilespmem:s19+$0x3870 ss:$0x81] =	vst.msk $0xffff, v1  }
0x4c: {  	[tilespmem:s19+$0x810 ss:$0x81] =	vst.msk $0xffff, v5;
	v2 =	vld [tilespmem:s20+$0x20]  }
0x4d: {  	v0 =	vld [tilespmem:s20+$0xFFFFFFC0];
	[tilespmem:s19+$0x1020 ss:$0x81] =	vst.msk $0xffff, v6;
	s20 =	sadd.s32 $0x80, s20  }
0x4e: {  	s22 =	sadd.s32 $0x4, s22;
	v1 =	vld [tilespmem:s20+$0x30];
	[tilespmem:s19+$0x1830 ss:$0x81] =	vst.msk $0xffff, v7  }
.Ltmp4:
0x4f: {  	_ = 	snop;
	(pc) =	sbr.rel .LBB1_4-.Ltmp4, $1  }
0x50: {  	_ =	sdelay $0x3  }
.LBB1_6:
0x51: {  	_ =	sfence.sel $0x180000  }
0x52: {  	s1 =	simm.s32 $0x1;
	[bflag:$0x0] =	sbarrier.arrive $0xFFFF  }
0x53: {  	s31 =	simm.s32 $0x2;
	[sflag:s1] =	ssyncpa.u1 $0x1  }
0x54: {  	[sflag:s31] =	ssyncpa.u1 $0x1  }
0x55: {  	p0 =	sne.s32 s0, $0x0;
	_ =	strace $0x90000047  }
0x56: {  	s0 =	sadd.s32 @!p0 $0x100000, s4;
	[bflag:$0x2] =	sbarrier.arrive $0xFFFF  }
0x57: {  	[sflag:s0] =	ssyncadd.tile.s32 @!p0 $0x1;
	_ =	shalt  }
.Lfunc_end1:
_tile_overlayer_lowered:
.L_overlay_start_2:
0x58: {  	(tag) =	ssettag $0x2  }
0x59: {  	s0 =	rddreg [dreg:$0x0];
	s2 =	stileid.u32  }
0x5a: {  	s1 =	rddreg [dreg:$0x1];
	p0 =	sne.s32 s2, $0x0  }
0x5b: {  	s3 =	rddreg [dreg:$0x2];
	[bflag:$0x3] =	sbarrier.arrive $0xFFFF;
	s2 =	simm.s32 @!p0 $0x1C01  }
0x5c: {  	[timem:s3], [sflag:s2] =	dma.local @!p0 [hbm:s0], s1  }
0x5d: {  	s0 =	simm.s32 @!p0 $0x1  }
0x5e: {  	_ =	swait.ge @!p0 [sflag:s0], s1  }
0x5f: {  	s1 =	ssub.s32 @!p0 $0x0, s1;
	[sflag:s0] =	ssyncset.done @!p0 $0x0  }
0x60: {  	[sflag:s0] =	ssyncadd.s32 @!p0 s1  }
0x61: {  	[bflag:$0x3] =	sbarrier.arrive $0xFFFF  }
0x62: {  	_ =	shalt  }

// kernel: sparse-core-data-format-call.cloned.1.call-start
scs
called_computation_lowered:
.L_overlay_start_0:
0x0: {  	s1 =	sld [smem:$0x3FD9]  }
0x1: {  	s2 =	sld [smem:$0x3FFE];
	_ =	sdelay $0x1  }
0x2: {  	s3 =	srdreg.scid  }
0x3: {  	s0 =	sand.u32 $0x1, s3  }
0x4: {  	s17 =	sshll.u32 s0, $0xA;
	s1 =	sadd.s32 s2, s1  }
0x5: {  	s1 =	sadd.s32 s1, s17  }
0x6: {  	[smem:$0x3FB7] =	sst s1  }
0x7: {  	_ = 	snop  }
0x8: {  	(tm) =	ssettm $0x1  }
0x9: {  	s18 =	sld [smem:$0x3FFB];
	_ =	sdelay $0x3  }
0xa: {  	_ =	strace s18  }
0xb: {  	s1 =	sld [smem:$0x3FFC];
	_ =	sdelay $0x3  }
0xc: {  	_ =	strace s1  }
0xd: {  	s1 =	sld [smem:$0x3FFD];
	_ =	sdelay $0x3  }
0xe: {  	_ =	strace s1  }
0xf: {  	_ =	strace $0x8FFFFFFF  }
0x10: {  	s19 =	sld [smem:$0x3FDB];
	_ =	sdelay $0x1  }
0x11: {  	s20 =	simm.s32 $_scs_section_size  }
0x12: {  	s4 =	simm.s32 $_size__tile_overlayer_lowered;
	s5 =	simm.s32 $_tile_overlayer_lowered  }
0x13: {  	s23 =	simm.s32 $0x1BFF;
	s22 =	sshll.u32 s5, $0x1;
	s1 =	sadd.s32 s20, s19  }
0x14: {  	s6 =	simm.s32 $0x0;
	s21 =	sshll.u32 s4, $0x1;
	s4 =	sadd.s32 s22, s1  }
0x15: {  	[timem:s6], [sflag:s23] =	dma.local [hbm:s4], s21  }
0x16: {  	_ =	swait.ge [sflag:s23], s21  }
0x17: {  	s2 =	ssub.s32 $0x0, s21;
	[sflag:s23] =	ssyncset.done $0x0  }
0x18: {  	[sflag:s23] =	ssyncadd.s32 s2;
	_ =	sdelay $0x1  }
0x19: {  	s24 =	simm.s32 $0x1B8B  }
0x1a: {  	_ =	swait.ge [sflag:s24], $0x1  }
0x1b: {  	[sflag:s24] =	ssyncset.done $0x0  }
0x1c: {  	s26 =	simm.s32 $0x1B8E;
	s25 =	sld [smem:$0x3FFE];
	[sflag:s24] =	ssyncadd.s32 $0xFFFFFFFF  }
0x1d: {  	s27 =	simm.s32 $execute0_lowered;
	[smem:$0x3FD2] =	sst s26  }
0x1e: {  	s4 =	sshll.u32 s27, $0x1;
	_ =	strace $0x80000049;
	[dreg:$0x1] =	wrdreg $0xFFFFFFFF  }
0x1f: {  	s28 =	simm.s32 $_size_execute0_lowered;
	s1 =	sadd.s32 s1, s4;
	[dreg:$0x0] =	wrdreg $0x0  }
0x20: {  	s4 =	sshll.u32 s28, $0x1;
	[dreg:$0x2] =	wrdreg s1  }
0x21: {  	[dreg:$0x3] =	wrdreg s4  }
0x22: {  	[dreg:$0x4] =	wrdreg $0xC0  }
0x23: {  	_ =	task [dreg:s6], $0x5FFFF  }
0x24: {  	[dreg:$0x1] =	wrdreg $0xFFFFFFFF  }
0x25: {  	[dreg:$0x0] =	wrdreg $0x60  }
0x26: {  	[dreg:$0x2] =	wrdreg s25  }
0x27: {  	[dreg:$0x3] =	wrdreg $0x9  }
0x28: {  	_ =	task.clear_ibuf [dreg:s6], $0x4FFFF;
	_ =	strace $0x90000049  }
0x29: {  	s29 =	simm.s32 $0x9;
	_ =	strace $0x8000004B  }
0x2a: {  	_ =	swait.ge [sflag:s29], $0x1  }
0x2b: {  	[sflag:s29] =	ssyncadd.s32 $0xFFFFFFFF  }
0x2c: {  	_ =	strace $0x9000004B  }
0x2d: {  	_ =	sfence  }
0x2e: {  	s30 =	sld [smem:$0x0];
	_ =	sdelay $0x2  }
0x2f: {  	s31 =	sshll.u32 s3, $0xD;
	s3 =	sshrl.u32 s3, $0x2  }
0x30: {  	s2 =	sand.u32 $0x4000, s31;
	s1 =	sadd.s32 s3, s30  }
0x31: {  	s0 =	sor.u32 s2, s0;
	s1 =	sshll.u32 s1, $0x11  }
0x32: {  	s0 =	sor.u32 s1, s0  }
0x33: {  	s0 =	sadd.s32 $0x8F2B, s0  }
0x34: {  	[sflag:s0] =	ssyncadd.remote.s32 $0x1  }
0x35: {  	_ =	sfence.sel $0xFFFF  }
0x36: {  	[dreg:$0x0] =	wrdreg $0xFFFFFFFF;
	(pc) =	sbr.abs _section_cstart, $3  }
0x37: {  	[dreg:$0x1] =	wrdreg $0xFFFFFFFF  }
0x38: {  	_ =	task.clear_ibuf [dreg:s6], $0x2FFFF;
	_ =	strace $0x9FFFFFFF  }
0x39: {  	(tm) =	ssettm $0x7FFFFFFF  }
tec
execute0_lowered:
.L_overlay_start_1:
0x0: {  	(tag) =	ssettag $0x1  }
0x1: {  	s0 =	srdreg.scid  }
0x2: {  	s1 =	sshll.u32 s0, $0x4  }
0x3: {  	s4 =	rddreg [dreg:$0x0];
	s0 =	stileid.u32;
	s1 =	sand.u32 $0x10, s1  }
0x4: {  	s7 =	simm.s32 $0x1;
	s8 =	simm.s32 $0x2;
	s2 =	sor.u32 s0, s1  }
0x5: {  	s9 =	simm.s32 $0x0;
	s12 =	simm.s32 $0x0;
	s2 =	sshll.u32 s2, $0x3  }
0x6: {  	s11 =	simm.s32 $0x0;
	s3 =	sadd.s32 $0x317800, s4;
	s6 =	ssub.s32 $0x1C20, s2  }
.Ltmp0:
0x7: {  	s4 =	sadd.s32 $0x5800, s4;
	s5 =	sand.u32 $0xF8, s6;
	(pc) =	sbr.rel .LBB1_1-.Ltmp0, $4  }
0x8: {  	s1 =	rddreg [dreg:$0x1];
	_ =	strace $0x8000004A;
	p0 =	sne.s32 s5, $0x0  }
0x9: {  	s6 =	sshrl.u32 s6, $0x8;
	s5 =	simm.s32 $0x1;
	s7 =	simm.s32 @!p0 $0x0  }
0xa: {  	s10 =	smov.u32 s2;
	[sflag:s5] =	ssyncpa.u1 $0x0;
	s6 =	sadd.s32 s7, s6  }
0xb: {  	[sflag:s8] =	ssyncpa.u1 $0x0;
	s8 =	simm.s32 $0x0;
	s7 =	sadd.s32 $0x1, s6  }
.LBB1_9:
0xc: {  	s14 =	sadd.s32 $0x100, s10  }
0xd: {  	p1 =	sgt.s32 s14, $0x1C1F  }
0xe: {  	s14 =	smov.u32 @p1 s2;
	p1 =	sne.s32 s11, s7  }
.Ltmp1:
0xf: {  	p0 =	slt.u32 s11, $0x2;
	(pc) =	sbr.rel @!p1 .LBB1_10-.Ltmp1, $4  }
0x10: {  	s13 =	simm.s32 @!p0 $0x2  }
0x11: {  	s15 =	sadd.s32 $0x1, s11;
	_ =	swait.ge @!p0 [sflag:s13], $0x4000  }
0x12: {  	s12 =	smov.u32 s10;
	s9 =	sadd.s32 $0x4000, s9;
	[sflag:s13] =	ssyncset.done @!p0 $0x0  }
0x13: {  	s11 =	smov.u32 s15;
	s10 =	smov.u32 s14;
	[sflag:s13] =	ssyncadd.s32 @!p0 $0xFFFFC000  }
.LBB1_1:
0x14: {  	p0 =	sge.u32 s11, s6  }
0x15: {  	s13 =	sxor.u32 @!p0 $0xFFFFFFFF, s11  }
0x16: {  	s31 =	sadd.s32 $0xFFFFFFFF, s11;
	s14 =	sshll.u32 @!p0 s10, $0x8;
	s13 =	sshll.u32 @!p0 s13, $0xE  }
0x17: {  	s15 =	simm.s32 @!p0 $0x0;
	s14 =	sadd.s32 @!p0 s3, s14;
	s13 =	sand.u32 @!p0 $0x4000, s13  }
0x18: {  	[tilespmem:s13], [sflag:$0x1] =	stream.linear.gather @!p0 [hbm4b:s14+s15], $0x4000, $0x38;
	[tilespmem:$0x10000] =	vst v63  }
0x19: {  	p0 =	sge.u32 s31, s6  }
.Ltmp2:
0x1a: {  	_ = 	snop;
	(pc) =	sbr.rel @p0 .LBB1_9-.Ltmp2, $1  }
0x1b: {  	_ =	sdelay $0x3  }
0x1c: {  	s13 =	sshll.u32 s9, $0x2;
	_ =	swait.ge [sflag:s5], $0x4000;
	s14 =	sshll.u32 s11, $0xE  }
0x1d: {  	s16 =	simm.s32 $0x0;
	s17 =	simm.s32 $0x0;
	s15 =	sand.u32 $0x10000, s13  }
0x1e: {  	[sflag:s5] =	ssyncset.done $0x0;
	s31 =	sand.u32 $0x4000, s14;
	s14 =	sshrl.u32 s15, $0x2  }
0x1f: {  	[sflag:s5] =	ssyncadd.s32 $0xFFFFC000;
	s13 =	sor.u32 $0x8000, s31;
	s15 =	sor.u32 $0x8000, s14  }
.LBB1_3:
0x20: {  	s18 =	sshra.s32 s16, $0x2  }
0x21: {  	v0 =	vmov s18;
	_ =	sdelay $0x3  }
0x22: {  	p1 =	por $0x1, $0x1;
	s18 =	simm.s32 $0x0  }
.LBB1_4:
0x23: {  	_ = 	snop  }
0x24: {  	s19 =	sshll.u32 s18, $0xA  }
0x25: {  	s19 =	sand.u32 $0x3FFFFC00, s19  }
0x26: {  	s19 =	sadd.s32 s19, s14  }
0x27: {  	v5 =	vld.idx.msk [tilespmem:v0+s19+$0x70 ss:$0x1], $0xffff  }
0x28: {  	v6 =	vld.idx.msk [tilespmem:v0+s19+$0x10 ss:$0x1], $0xffff  }
0x29: {  	v7 =	vld.idx.msk [tilespmem:v0+s19+$0x20 ss:$0x1], $0xffff  }
0x2a: {  	s31 =	sshll.u32 s18, $0x7;
	v1 =	vld.idx.msk [tilespmem:v0+s19+$0x30 ss:$0x1], $0xffff  }
0x2b: {  	s18 =	sand.u32 $0x3FFFFF80, s31;
	v2 =	vld.idx.msk [tilespmem:v0+s19+$0x40 ss:$0x1], $0xffff  }
0x2c: {  	s18 =	sadd.s32 s18, s15;
	v3 =	vld.idx.msk [tilespmem:v0+s19+$0x50 ss:$0x1], $0xffff  }
0x2d: {  	v4 =	vld.idx.msk [tilespmem:v0+s19+$0x60 ss:$0x1], $0xffff;
	[tilespmem:v0+s18+$0x70 ss:$0x1] =	vst.idx.msk $0xffff, v5  }
0x2e: {  	v5 =	vld.idx.msk [tilespmem:v0+s19+$0x0 ss:$0x1], $0xffff;
	[tilespmem:v0+s18+$0x10 ss:$0x1] =	vst.idx.msk $0xffff, v6;
	s19 =	sadd.s32 $0x80, s19  }
0x2f: {  	p0 =	por p1, p1;
	s20 =	simm.s32 $0x6;
	[tilespmem:v0+s18+$0x20 ss:$0x1] =	vst.idx.msk $0xffff, v7;
	v6 =	vld.idx.msk [tilespmem:v0+s19+$0x70 ss:$0x1], $0xffff  }
.LBB1_5:
0x30: {  	p1 =	sne.s32 s20, $0x1;
	v7 =	vld.idx.msk [tilespmem:v0+s19+$0x10 ss:$0x1], $0xffff;
	[tilespmem:v0+s18+$0x30 ss:$0x1] =	vst.idx.msk $0xffff, v1  }
0x31: {  	v8 =	vld.idx.msk [tilespmem:v0+s19+$0x20 ss:$0x1], $0xffff;
	[tilespmem:v0+s18+$0x40 ss:$0x1] =	vst.idx.msk $0xffff, v2  }
0x32: {  	v1 =	vld.idx.msk [tilespmem:v0+s19+$0x30 ss:$0x1], $0xffff;
	[tilespmem:v0+s18+$0x50 ss:$0x1] =	vst.idx.msk $0xffff, v3  }
.Ltmp3:
0x33: {  	v2 =	vld.idx.msk [tilespmem:v0+s19+$0x40 ss:$0x1], $0xffff;
	[tilespmem:v0+s18+$0x60 ss:$0x1] =	vst.idx.msk $0xffff, v4;
	(pc) =	sbr.rel @p1 .LBB1_5-.Ltmp3, $4  }
0x34: {  	v3 =	vld.idx.msk [tilespmem:v0+s19+$0x50 ss:$0x1], $0xffff;
	[tilespmem:v0+s18+$0x0 ss:$0x1] =	vst.idx.msk $0xffff, v5;
	s18 =	sadd.s32 $0x100, s18  }
0x35: {  	v4 =	vld.idx.msk [tilespmem:v0+s19+$0x60 ss:$0x1], $0xffff;
	[tilespmem:v0+s18+$0x70 ss:$0x1] =	vst.idx.msk $0xffff, v6  }
0x36: {  	v5 =	vld.idx.msk [tilespmem:v0+s19+$0x0 ss:$0x1], $0xffff;
	[tilespmem:v0+s18+$0x10 ss:$0x1] =	vst.idx.msk $0xffff, v7;
	s19 =	sadd.s32 $0x80, s19  }
0x37: {  	s20 =	sadd.s32 $0xFFFFFFFF, s20;
	v6 =	vld.idx.msk [tilespmem:v0+s19+$0x70 ss:$0x1], $0xffff;
	[tilespmem:v0+s18+$0x20 ss:$0x1] =	vst.idx.msk $0xffff, v8  }
0x38: {  	_ =	sdelay $0x3  }
0x39: {  	[tilespmem:v0+s18+$0x30 ss:$0x1] =	vst.idx.msk $0xffff, v1  }
0x3a: {  	v1 =	vld.idx.msk [tilespmem:v0+s19+$0x10 ss:$0x1], $0xffff;
	[tilespmem:v0+s18+$0x40 ss:$0x1] =	vst.idx.msk $0xffff, v2  }
0x3b: {  	v2 =	vld.idx.msk [tilespmem:v0+s19+$0x20 ss:$0x1], $0xffff;
	[tilespmem:v0+s18+$0x50 ss:$0x1] =	vst.idx.msk $0xffff, v3  }
0x3c: {  	v61 =	vld.idx.msk [tilespmem:v0+s19+$0x40 ss:$0x1], $0xffff;
	[tilespmem:v0+s18+$0x60 ss:$0x1] =	vst.idx.msk $0xffff, v4  }
0x3d: {  	s31 =	sadd.s32 $0x100, s18;
	v62 =	vld.idx.msk [tilespmem:v0+s19+$0x50 ss:$0x1], $0xffff;
	[tilespmem:v0+s18+$0x0 ss:$0x1] =	vst.idx.msk $0xffff, v5  }
0x3e: {  	v63 =	vld.idx.msk [tilespmem:v0+s19+$0x60 ss:$0x1], $0xffff;
	[tilespmem:v0+s31+$0x70 ss:$0x1] =	vst.idx.msk $0xffff, v6  }
0x3f: {  	v3 =	vld.idx.msk [tilespmem:v0+s19+$0x30 ss:$0x1], $0xffff;
	[tilespmem:v0+s31+$0x10 ss:$0x1] =	vst.idx.msk $0xffff, v1  }
0x40: {  	v1 =	vld.idx.msk [tilespmem:v0+s19+$0x0 ss:$0x1], $0xffff;
	[tilespmem:v0+s31+$0x20 ss:$0x1] =	vst.idx.msk $0xffff, v2  }
.Ltmp4:
0x41: {  	[tilespmem:v0+s31+$0x40 ss:$0x1] =	vst.idx.msk $0xffff, v61;
	(pc) =	sbr.rel @p0 .LBB1_4-.Ltmp4, $4  }
0x42: {  	[tilespmem:v0+s31+$0x50 ss:$0x1] =	vst.idx.msk $0xffff, v62  }
0x43: {  	[tilespmem:v0+s31+$0x60 ss:$0x1] =	vst.idx.msk $0xffff, v63  }
0x44: {  	[tilespmem:v0+s31+$0x30 ss:$0x1] =	vst.idx.msk $0xffff, v3  }
0x45: {  	p1 =	por $0x0, $0x0;
	s18 =	simm.s32 $0x1;
	[tilespmem:v0+s31+$0x0 ss:$0x1] =	vst.idx.msk $0xffff, v1  }
0x46: {  	s17 =	sadd.s32 $0x1, s17  }
0x47: {  	p0 =	sne.s32 s17, $0x8  }
.Ltmp5:
0x48: {  	_ = 	snop;
	(pc) =	sbr.rel @p0 .LBB1_3-.Ltmp5, $2  }
0x49: {  	_ =	sdelay $0x2  }
0x4a: {  	s16 =	sadd.s32 $0x2000, s16  }
.Ltmp6:
0x4b: {  	(pc) =	sbr.rel .LBB1_9-.Ltmp6, $4  }
0x4c: {  	_ = 	snop  }
0x4d: {  	s12 =	sshll.u32 s12, $0x8  }
0x4e: {  	s12 =	sadd.s32 s4, s12  }
0x4f: {  	[hbm4b:s12+s8] =	stream.linear.scatter [tilespmem:s13], [sflag:$0x2], $0x4000, $0x38;
	[tilespmem:$0x10000] =	vst v63  }
.LBB1_10:
0x50: {  	_ =	sfence.sel $0x180000  }
0x51: {  	s2 =	simm.s32 $0x1;
	[bflag:$0x0] =	sbarrier.arrive $0xFFFF  }
0x52: {  	s31 =	simm.s32 $0x2;
	[sflag:s2] =	ssyncpa.u1 $0x1  }
0x53: {  	[sflag:s31] =	ssyncpa.u1 $0x1  }
0x54: {  	p0 =	sne.s32 s0, $0x0;
	_ =	strace $0x9000004A  }
0x55: {  	s0 =	sadd.s32 @!p0 $0x100000, s1;
	[bflag:$0x2] =	sbarrier.arrive $0xFFFF  }
0x56: {  	[sflag:s0] =	ssyncadd.tile.s32 @!p0 $0x1;
	_ =	shalt  }
.Lfunc_end1:
_tile_overlayer_lowered:
.L_overlay_start_2:
0x57: {  	(tag) =	ssettag $0x2  }
0x58: {  	s0 =	rddreg [dreg:$0x0];
	s2 =	stileid.u32  }
0x59: {  	s1 =	rddreg [dreg:$0x1];
	p0 =	sne.s32 s2, $0x0  }
0x5a: {  	s3 =	rddreg [dreg:$0x2];
	[bflag:$0x3] =	sbarrier.arrive $0xFFFF;
	s2 =	simm.s32 @!p0 $0x1C01  }
0x5b: {  	[timem:s3], [sflag:s2] =	dma.local @!p0 [hbm:s0], s1  }
0x5c: {  	s0 =	simm.s32 @!p0 $0x1  }
0x5d: {  	_ =	swait.ge @!p0 [sflag:s0], s1  }
0x5e: {  	s1 =	ssub.s32 @!p0 $0x0, s1;
	[sflag:s0] =	ssyncset.done @!p0 $0x0  }
0x5f: {  	[sflag:s0] =	ssyncadd.s32 @!p0 s1  }
0x60: {  	[bflag:$0x3] =	sbarrier.arrive $0xFFFF  }
0x61: {  	_ =	shalt  }

</sc_bundles>
